<compile_context>
chip_gen: v7x
topology: tpu7x:2x2x1
jax: 0.10.2.dev20260603
libtpu: 0.0.44.dev20260713+nightly
codegen_flags: <defaults>
</compile_context>

<pallas_src>
import dataclasses
import functools

import jax
import jax.numpy as jnp
from jax import lax
from jax.experimental import pallas as pl
from jax.experimental.pallas import tpu as pltpu
from jax.experimental.pallas import tpu_sc as plsc

HIGHEST = lax.Precision.HIGHEST

_SC_CP = pltpu.CompilerParams()
if "needs_layout_passes" in pltpu.CompilerParams.__dataclass_fields__:
    _SC_CP = dataclasses.replace(_SC_CP, needs_layout_passes=False)

NTILE = 16
NCORE = 2
CHUNK = 128
BLK = 1024


def _dot_t(a, b, precision=None):
    return lax.dot_general(a, b, (((1,), (1,)), ((), ())),
                           precision=precision,
                           preferred_element_type=jnp.float32)



def _sc_mesh():
    return plsc.VectorSubcoreMesh(core_axis_name="c", subcore_axis_name="s")


def _make_deg_kernel(n_pad, per_tile):
    nrow = n_pad // 128

    @functools.partial(
        pl.kernel,
        mesh=_sc_mesh(),
        out_type=jax.ShapeDtypeStruct((NCORE, nrow, 128), jnp.float32),
        compiler_params=_SC_CP,
        scratch_types=[
            pltpu.VMEM((per_tile,), jnp.int32),
            pltpu.VMEM((nrow, 128), jnp.float32),
            pltpu.VMEM((nrow,), jnp.int32),
            pltpu.VMEM_SHARED((nrow, 128), jnp.float32),
        ],
    )
    def deg_kernel(dst_hbm, zeros_hbm, degp_hbm, idx_v, hist_v, rows_v, acc):
        c = lax.axis_index("c")
        s = lax.axis_index("s")
        pltpu.sync_copy(dst_hbm.at[c, s], idx_v)
        pltpu.sync_copy(zeros_hbm.at[pl.ds(0, nrow)], hist_v)

        @pl.when(s == 0)
        def _():
            pltpu.sync_copy(zeros_hbm.at[pl.ds(0, nrow)], acc)

        iota = lax.iota(jnp.int32, 16)

        @pl.loop(0, nrow // 16)
        def _(j):
            rows_v[pl.ds(j * 16, 16)] = iota + j * 16

        ones = jnp.ones((16,), jnp.float32)

        @pl.loop(0, per_tile // 16)
        def _(i):
            iv = idx_v[pl.ds(i * 16, 16)]
            plsc.addupdate_scatter(
                hist_v, [lax.shift_right_logical(iv, 7), iv & 127], ones)

        plsc.subcore_barrier()
        pltpu.sync_copy(hist_v, acc.at[rows_v], add=True)
        plsc.subcore_barrier()

        @pl.when(s == 0)
        def _():
            pltpu.sync_copy(acc, degp_hbm.at[c])

    return deg_kernel


def _make_scatter_kernel(n_pad, nchunk, hh, feature_split):
    rpt = n_pad // NTILE
    sup = 40
    assert nchunk % sup == 0
    nsup = nchunk // sup

    @functools.partial(
        pl.kernel,
        mesh=_sc_mesh(),
        out_type=jax.ShapeDtypeStruct((NCORE * n_pad, hh), jnp.float32),
        scratch_types=[
            pltpu.VMEM((sup, CHUNK), jnp.int32),
            pltpu.VMEM((sup, CHUNK), jnp.int32),
            pltpu.VMEM((CHUNK, hh), jnp.float32),
            pltpu.VMEM((CHUNK, hh), jnp.float32),
            pltpu.VMEM_SHARED((n_pad, hh), jnp.float32),
            pltpu.SemaphoreType.DMA,
            pltpu.SemaphoreType.DMA,
        ],
    )
    def scatter_kernel(u_hbm, src_hbm, dst_hbm, zeros_hbm, v_hbm,
                       src_v, dst_v, g0, g1, acc, gsem0, gsem1):
        c = lax.axis_index("c")
        s = lax.axis_index("s")
        if feature_split:
            pltpu.sync_copy(u_hbm.at[pl.ds(c * n_pad + s * rpt, rpt)],
                            acc.at[pl.ds(s * rpt, rpt)])
        else:
            pltpu.sync_copy(zeros_hbm, acc.at[pl.ds(s * rpt, rpt)])
        plsc.subcore_barrier()

        def wait_gather(buf, sem):
            pltpu.make_async_copy(u_hbm.at[src_v.at[0]], buf, sem).wait()

        @pl.loop(0, nsup)
        def _(sc):
            pltpu.sync_copy(src_hbm.at[c, s, pl.ds(sc * sup, sup)], src_v)
            pltpu.sync_copy(dst_hbm.at[c, s, pl.ds(sc * sup, sup)], dst_v)
            pltpu.async_copy(u_hbm.at[src_v.at[0]], g0, gsem0)

            @pl.loop(0, sup, step=2)
            def _(j):
                pltpu.async_copy(u_hbm.at[src_v.at[j + 1]], g1, gsem1)
                wait_gather(g0, gsem0)
                pltpu.sync_copy(g0, acc.at[dst_v.at[j]], add=True)

                @pl.when(j + 2 < sup)
                def _():
                    pltpu.async_copy(u_hbm.at[src_v.at[j + 2]], g0, gsem0)

                wait_gather(g1, gsem1)
                pltpu.sync_copy(g1, acc.at[dst_v.at[j + 1]], add=True)

        plsc.subcore_barrier()
        pltpu.sync_copy(acc.at[pl.ds(s * rpt, rpt)],
                        v_hbm.at[pl.ds(c * n_pad + s * rpt, rpt)])

    return scatter_kernel



def _first_body(x_ref, w_ref, degp_ref, u_ref, *, hh):
    u = _dis(degp_ref) * _dot_t(x_ref[...], w_ref[...])
    u_ref[0] = u[:, :hh]
    u_ref[1] = u[:, hh:]


def _dis(degp_ref):
    deg = degp_ref[:, 0:1] + degp_ref[:, 1:2] + 1.0
    return lax.rsqrt(deg)


def _scale_body(h_ref, degp_ref, u_ref, *, hh):
    u = _dis(degp_ref) * h_ref[...]
    u_ref[0] = u[:, :hh]
    u_ref[1] = u[:, hh:]


def _ln_leaky(o, g_ref, be_ref):
    mu = jnp.mean(o, axis=1, keepdims=True)
    d = o - mu
    var = jnp.mean(d * d, axis=1, keepdims=True)
    xn = d * lax.rsqrt(var + 1e-5) * g_ref[...] + be_ref[...]
    return jnp.where(xn >= 0, xn, 0.01 * xn)


def _mid_body(v_ref, degp_ref, b_ref, g_ref, be_ref, w2_ref, u_ref):
    dis = _dis(degp_ref)
    v = jnp.concatenate([v_ref[0], v_ref[1]], axis=1)
    a = _ln_leaky(dis * v + b_ref[...], g_ref, be_ref)
    u_ref[...] = dis * _dot_t(a, w2_ref[...])


def _final_body(v_ref, u_ref, degp_ref, b_ref, g_ref, be_ref, batch_ref,
                wl_ref, bl_ref, out_ref, sums_ref, cnt_ref, *, num_graphs,
                nblocks):
    i = pl.program_id(0)

    @pl.when(i == 0)
    def _():
        sums_ref[...] = jnp.zeros_like(sums_ref)
        cnt_ref[...] = jnp.zeros_like(cnt_ref)

    dis = _dis(degp_ref)
    v = v_ref[0] + v_ref[1] + u_ref[...]
    h = _ln_leaky(dis * v + b_ref[...], g_ref, be_ref)

    gid = lax.broadcasted_iota(jnp.int32, (h.shape[0], num_graphs), 1)
    onehot = (batch_ref[...] == gid).astype(jnp.float32)
    sums_ref[...] += lax.dot_general(
        onehot, h, (((0,), (0,)), ((), ())),
        precision=HIGHEST, preferred_element_type=jnp.float32)
    cnt_ref[...] += lax.dot_general(
        onehot, jnp.ones((h.shape[0], 1), jnp.float32),
        (((0,), (0,)), ((), ())),
        precision=HIGHEST, preferred_element_type=jnp.float32)

    @pl.when(i == nblocks - 1)
    def _():
        pooled = sums_ref[...] / jnp.maximum(cnt_ref[...], 1.0)
        pb = pooled.astype(jnp.bfloat16).astype(jnp.float32)
        wb = wl_ref[...].astype(jnp.bfloat16).astype(jnp.float32)
        out_ref[...] = jnp.sum(pb * wb, axis=1, keepdims=True) + bl_ref[0, 0]



def kernel(x, edge_index, batch, W1, b1, g1, be1, W2, b2, g2, be2, Wl, bl):
    n, d = x.shape
    h1 = W1.shape[0]
    h2 = W2.shape[0]
    num_graphs = 128
    e = edge_index.shape[1]

    n_pad = ((n + BLK - 1) // BLK) * BLK
    nblocks = n_pad // BLK
    rpt = n_pad // NTILE

    grain = NCORE * NTILE * CHUNK
    e_pad = ((e + grain - 1) // grain) * grain
    per_tile_m = e_pad // NTILE
    nchunk_m = per_tile_m // CHUNK
    per_tile_d = e_pad // (NCORE * NTILE)
    nchunk_d = per_tile_d // CHUNK

    src = edge_index[0]
    dst = edge_index[1]
    sink = jnp.int32(n)
    src_p = jnp.concatenate([src, jnp.zeros((e_pad - e,), jnp.int32)])
    dst_p = jnp.concatenate([dst, jnp.full((e_pad - e,), sink, jnp.int32)])

    srcs1 = jnp.stack([src_p, src_p + n_pad]).reshape(
        NCORE, NTILE, nchunk_m, CHUNK)
    dsts1 = jnp.stack([dst_p, dst_p]).reshape(NCORE, NTILE, nchunk_m, CHUNK)
    srcs2 = src_p.reshape(NCORE, NTILE, nchunk_m // 2, CHUNK)
    dsts2 = dst_p.reshape(NCORE, NTILE, nchunk_m // 2, CHUNK)
    dstd = dst_p.reshape(NCORE, NTILE, per_tile_d)

    zeros128 = jnp.zeros((rpt, 128), jnp.float32)

    x_pad = jnp.pad(x, ((0, n_pad - n), (0, 0)))
    batch_pad = jnp.pad(batch, (0, n_pad - n),
                        constant_values=-1).reshape(n_pad, 1)

    degp = _make_deg_kernel(n_pad, per_tile_d)(dstd, zeros128)
    deg_t = jnp.transpose(degp.reshape(NCORE, n_pad))

    first = pl.pallas_call(
        functools.partial(_first_body, hh=h1 // 2),
        grid=(nblocks,),
        in_specs=[
            pl.BlockSpec((BLK, d), lambda i: (i, 0)),
            pl.BlockSpec((h1, d), lambda i: (0, 0)),
            pl.BlockSpec((BLK, NCORE), lambda i: (i, 0)),
        ],
        out_specs=pl.BlockSpec((NCORE, BLK, h1 // 2), lambda i: (0, i, 0)),
        out_shape=jax.ShapeDtypeStruct((NCORE, n_pad, h1 // 2), jnp.float32),
    )
    u1 = first(x_pad, W1, deg_t).reshape(NCORE * n_pad, h1 // 2)

    v1 = _make_scatter_kernel(n_pad, nchunk_m, h1 // 2, True)(
        u1, srcs1, dsts1, zeros128)
    v1 = v1.reshape(NCORE, n_pad, h1 // 2)

    mid = pl.pallas_call(
        _mid_body,
        grid=(nblocks,),
        in_specs=[
            pl.BlockSpec((NCORE, BLK, h1 // 2), lambda i: (0, i, 0)),
            pl.BlockSpec((BLK, NCORE), lambda i: (i, 0)),
            pl.BlockSpec((1, h1), lambda i: (0, 0)),
            pl.BlockSpec((1, h1), lambda i: (0, 0)),
            pl.BlockSpec((1, h1), lambda i: (0, 0)),
            pl.BlockSpec((h2, h1), lambda i: (0, 0)),
        ],
        out_specs=pl.BlockSpec((BLK, h2), lambda i: (i, 0)),
        out_shape=jax.ShapeDtypeStruct((n_pad, h2), jnp.float32),
    )
    u2 = mid(v1, deg_t, b1.reshape(1, h1), g1.reshape(1, h1),
             be1.reshape(1, h1), W2)

    v2 = _make_scatter_kernel(n_pad, nchunk_m // 2, h2, False)(
        u2, srcs2, dsts2, zeros128)
    v2 = v2.reshape(NCORE, n_pad, h2)

    final = pl.pallas_call(
        functools.partial(_final_body, num_graphs=num_graphs,
                          nblocks=nblocks),
        grid=(nblocks,),
        in_specs=[
            pl.BlockSpec((NCORE, BLK, h2), lambda i: (0, i, 0)),
            pl.BlockSpec((BLK, h2), lambda i: (i, 0)),
            pl.BlockSpec((BLK, NCORE), lambda i: (i, 0)),
            pl.BlockSpec((1, h2), lambda i: (0, 0)),
            pl.BlockSpec((1, h2), lambda i: (0, 0)),
            pl.BlockSpec((1, h2), lambda i: (0, 0)),
            pl.BlockSpec((BLK, 1), lambda i: (i, 0)),
            pl.BlockSpec((1, h2), lambda i: (0, 0)),
            pl.BlockSpec((1, 1), lambda i: (0, 0)),
        ],
        out_specs=pl.BlockSpec((num_graphs, 1), lambda i: (0, 0)),
        out_shape=jax.ShapeDtypeStruct((num_graphs, 1), jnp.float32),
        scratch_shapes=[
            pltpu.VMEM((num_graphs, h2), jnp.float32),
            pltpu.VMEM((num_graphs, 1), jnp.float32),
        ],
    )
    return final(v2, u2, deg_t, b2.reshape(1, h2), g2.reshape(1, h2),
                 be2.reshape(1, h2), batch_pad, Wl, bl.reshape(1, 1))

# --- scband reference (transcript-rebuilt; emitter-appended) ---
"""Pipeline reference for scband-gcn-7687991460115 (READ-ONLY COPY).

The authoritative reference and input builder live on the scoring server;
editing this copy changes nothing except your own understanding.
"""

import jax, jax.numpy as jnp
import numpy as np

N = 10000
E = 160000
D = 256
H1 = 256
H2 = 128
G = 128


def setup_inputs(seed: int = 0) -> dict:
    key = jax.random.key(seed)
    ks = jax.random.split(key, 12)
    x = jax.random.normal(ks[0], (N, D), dtype=jnp.float32)
    edge_index = jax.random.randint(ks[1], (2, E), 0, N, dtype=jnp.int32)
    batch = jnp.sort(jax.random.randint(ks[2], (N,), 0, G, dtype=jnp.int32))
    W1 = jax.random.normal(ks[3], (H1, D), dtype=jnp.float32) * np.sqrt(2.0 / D)
    b1 = jnp.zeros((H1,), dtype=jnp.float32)
    g1 = jnp.ones((H1,), dtype=jnp.float32)
    be1 = jnp.zeros((H1,), dtype=jnp.float32)
    W2 = jax.random.normal(ks[4], (H2, H1), dtype=jnp.float32) * np.sqrt(2.0 / H1)
    b2 = jnp.zeros((H2,), dtype=jnp.float32)
    g2 = jnp.ones((H2,), dtype=jnp.float32)
    be2 = jnp.zeros((H2,), dtype=jnp.float32)
    Wl = jax.random.normal(ks[5], (1, H2), dtype=jnp.float32) * np.sqrt(2.0 / H2)
    bl = jnp.zeros((1,), dtype=jnp.float32)
    return {"x": x, "edge_index": edge_index, "batch": batch,
            "W1": W1, "b1": b1, "g1": g1, "be1": be1,
            "W2": W2, "b2": b2, "g2": g2, "be2": be2,
            "Wl": Wl, "bl": bl}


def _gcn_conv(x, edge_index, W, b):
    # GCNConv with add_self_loops=True, symmetric normalization, bias
    n = x.shape[0]
    loop = jnp.arange(n, dtype=edge_index.dtype)
    src = jnp.concatenate([edge_index[0], loop])
    dst = jnp.concatenate([edge_index[1], loop])
    deg = jnp.zeros((n,), x.dtype).at[dst].add(1.0)
    dis = jax.lax.rsqrt(jnp.maximum(deg, 1.0))
    norm = dis[src] * dis[dst]
    h = x @ W.T
    msg = norm[:, None] * jnp.take(h, src, axis=0)
    out = jnp.zeros((n, W.shape[0]), x.dtype).at[dst].add(msg)
    return out + b


def _layer_norm(x, g, b, eps=1e-5):
    mu = jnp.mean(x, axis=-1, keepdims=True)
    var = jnp.mean((x - mu) ** 2, axis=-1, keepdims=True)
    return (x - mu) * jax.lax.rsqrt(var + eps) * g + b


def _global_mean_pool(x, batch, num_graphs):
    sums = jax.ops.segment_sum(x, batch, num_segments=num_graphs)
    cnt = jax.ops.segment_sum(jnp.ones((x.shape[0],), x.dtype), batch, num_segments=num_graphs)
    return sums / jnp.maximum(cnt, 1.0)[:, None]


def reference(x, edge_index, batch, W1, b1, g1, be1, W2, b2, g2, be2, Wl, bl):
    h = _gcn_conv(x, edge_index, W1, b1)
    h = jax.nn.leaky_relu(_layer_norm(h, g1, be1), negative_slope=0.01)
    h = _gcn_conv(h, edge_index, W2, b2)
    h = jax.nn.leaky_relu(_layer_norm(h, g2, be2), negative_slope=0.01)
    pooled = _global_mean_pool(h, batch, G)
    return pooled @ Wl.T + bl

if __name__ == "__main__":
    import jax
    _d = setup_inputs()
    print(jax.jit(kernel)(*tuple(_d.values())))

</pallas_src>

<mosaic_0001>
#map = affine_map<(d0, d1) -> (0, 0, 0)>
#map1 = affine_map<(d0, d1) -> (0, 0)>
module attributes {stable_mosaic.version = 14 : i64} {
  func.func @deg_kernel(%arg0: i32, %arg1: i32, %arg2: memref<2x16x5120xi32, #tpu.memory_space<hbm>>, %arg3: memref<640x128xf32, #tpu.memory_space<hbm>>, %arg4: memref<2x80x128xf32, #tpu.memory_space<hbm>>, %arg5: memref<5120xi32, #tpu.memory_space<vmem>>, %arg6: memref<80x128xf32, #tpu.memory_space<vmem>>, %arg7: memref<80xi32, #tpu.memory_space<vmem>>, %arg8: memref<80x128xf32, #tpu.memory_space<vmem_shared>>) attributes {dimension_semantics = [#tpu.dimension_semantics<core_parallel>, #tpu.dimension_semantics<subcore_parallel>], iteration_bounds = array<i64: 2, 16>, scalar_prefetch = 0 : i64, scratch_operands = 4 : i64, tpu.core_type = #tpu.core_type<sc_vector_subcore>, window_params = [{transform_indices = #map}, {transform_indices = #map1}, {transform_indices = #map}]} {
    "tpu.region"() ({
      %run_scoped3A = tpu.sem_alloc : memref<!tpu.dma_semaphore, #tpu.memory_space<semaphore_mem>>
      %dma_start3A = arith.constant 0 : i32
      %dma_start3A_18 = tpu.memref_slice %arg2[%arg0, %arg1, %dma_start3A] : memref<2x16x5120xi32, #tpu.memory_space<hbm>> -> memref<1x1x5120xi32, #tpu.memory_space<hbm>>
      %dma_start3A_19 = tpu.memref_squeeze %dma_start3A_18 : memref<1x1x5120xi32, #tpu.memory_space<hbm>> -> memref<5120xi32, #tpu.memory_space<hbm>>
      %dma_start3A_20 = arith.constant 0 : i32
      %dma_start3A_21 = tpu.memref_slice %arg2[%arg0, %arg1, %dma_start3A_20] : memref<2x16x5120xi32, #tpu.memory_space<hbm>> -> memref<1x1x5120xi32, #tpu.memory_space<hbm>>
      %dma_start3A_22 = tpu.memref_squeeze %dma_start3A_21 : memref<1x1x5120xi32, #tpu.memory_space<hbm>> -> memref<5120xi32, #tpu.memory_space<hbm>>
      tpu.enqueue_dma source(%dma_start3A_22 : memref<5120xi32, #tpu.memory_space<hbm>>) target(%arg5 : memref<5120xi32, #tpu.memory_space<vmem>>) target_semaphore(%run_scoped3A : memref<!tpu.dma_semaphore, #tpu.memory_space<semaphore_mem>>)
      %dma_wait3A = arith.constant 0 : i32
      %dma_wait3A_23 = tpu.memref_slice %arg2[%arg0, %arg1, %dma_wait3A] : memref<2x16x5120xi32, #tpu.memory_space<hbm>> -> memref<1x1x5120xi32, #tpu.memory_space<hbm>>
      %dma_wait3A_24 = tpu.memref_squeeze %dma_wait3A_23 : memref<1x1x5120xi32, #tpu.memory_space<hbm>> -> memref<5120xi32, #tpu.memory_space<hbm>>
      %dma_wait3A_25 = arith.constant 0 : i32
      %dma_wait3A_26 = tpu.memref_slice %arg2[%arg0, %arg1, %dma_wait3A_25] : memref<2x16x5120xi32, #tpu.memory_space<hbm>> -> memref<1x1x5120xi32, #tpu.memory_space<hbm>>
      %dma_wait3A_27 = tpu.memref_squeeze %dma_wait3A_26 : memref<1x1x5120xi32, #tpu.memory_space<hbm>> -> memref<5120xi32, #tpu.memory_space<hbm>>
      tpu.wait_dma2 semaphore(%run_scoped3A : memref<!tpu.dma_semaphore, #tpu.memory_space<semaphore_mem>>) src(%dma_wait3A_27 : memref<5120xi32, #tpu.memory_space<hbm>>) dst(%arg5 : memref<5120xi32, #tpu.memory_space<vmem>>)
      tpu.yield
    }) : () -> ()
    "tpu.region"() ({
      %run_scoped3A = tpu.sem_alloc : memref<!tpu.dma_semaphore, #tpu.memory_space<semaphore_mem>>
      %dma_start3A = arith.constant 0 : i32
      %dma_start3A_18 = arith.constant 0 : i32
      %dma_start3A_19 = tpu.memref_slice %arg3[%dma_start3A, %dma_start3A_18] : memref<640x128xf32, #tpu.memory_space<hbm>> -> memref<80x128xf32, #tpu.memory_space<hbm>>
      %dma_start3A_20 = arith.constant 0 : i32
      %dma_start3A_21 = arith.constant 0 : i32
      %dma_start3A_22 = tpu.memref_slice %arg3[%dma_start3A_20, %dma_start3A_21] : memref<640x128xf32, #tpu.memory_space<hbm>> -> memref<80x128xf32, #tpu.memory_space<hbm>>
      tpu.enqueue_dma source(%dma_start3A_22 : memref<80x128xf32, #tpu.memory_space<hbm>>) target(%arg6 : memref<80x128xf32, #tpu.memory_space<vmem>>) target_semaphore(%run_scoped3A : memref<!tpu.dma_semaphore, #tpu.memory_space<semaphore_mem>>)
      %dma_wait3A = arith.constant 0 : i32
      %dma_wait3A_23 = arith.constant 0 : i32
      %dma_wait3A_24 = tpu.memref_slice %arg3[%dma_wait3A, %dma_wait3A_23] : memref<640x128xf32, #tpu.memory_space<hbm>> -> memref<80x128xf32, #tpu.memory_space<hbm>>
      %dma_wait3A_25 = arith.constant 0 : i32
      %dma_wait3A_26 = arith.constant 0 : i32
      %dma_wait3A_27 = tpu.memref_slice %arg3[%dma_wait3A_25, %dma_wait3A_26] : memref<640x128xf32, #tpu.memory_space<hbm>> -> memref<80x128xf32, #tpu.memory_space<hbm>>
      tpu.wait_dma2 semaphore(%run_scoped3A : memref<!tpu.dma_semaphore, #tpu.memory_space<semaphore_mem>>) src(%dma_wait3A_27 : memref<80x128xf32, #tpu.memory_space<hbm>>) dst(%arg6 : memref<80x128xf32, #tpu.memory_space<vmem>>)
      tpu.yield
    }) : () -> ()
    %eq3A = arith.constant 0 : i32
    %eq3A_0 = arith.cmpi eq, %arg1, %eq3A : i32
    %convert_element_type3A = arith.extui %eq3A_0 : i1 to i32
    %cond3A = arith.constant 0 : i32
    %cond3A_1 = arith.cmpi ne, %convert_element_type3A, %cond3A : i32
    scf.if %cond3A_1 {
      "tpu.region"() ({
        %run_scoped3A = tpu.sem_alloc : memref<!tpu.dma_semaphore, #tpu.memory_space<semaphore_mem>>
        %dma_start3A = arith.constant 0 : i32
        %dma_start3A_18 = arith.constant 0 : i32
        %dma_start3A_19 = tpu.memref_slice %arg3[%dma_start3A, %dma_start3A_18] : memref<640x128xf32, #tpu.memory_space<hbm>> -> memref<80x128xf32, #tpu.memory_space<hbm>>
        tpu.enqueue_dma source(%dma_start3A_19 : memref<80x128xf32, #tpu.memory_space<hbm>>) target(%arg8 : memref<80x128xf32, #tpu.memory_space<vmem_shared>>) target_semaphore(%run_scoped3A : memref<!tpu.dma_semaphore, #tpu.memory_space<semaphore_mem>>)
        %dma_wait3A = arith.constant 0 : i32
        %dma_wait3A_20 = arith.constant 0 : i32
        %dma_wait3A_21 = tpu.memref_slice %arg3[%dma_wait3A, %dma_wait3A_20] : memref<640x128xf32, #tpu.memory_space<hbm>> -> memref<80x128xf32, #tpu.memory_space<hbm>>
        tpu.wait_dma2 semaphore(%run_scoped3A : memref<!tpu.dma_semaphore, #tpu.memory_space<semaphore_mem>>) src(%dma_wait3A_21 : memref<80x128xf32, #tpu.memory_space<hbm>>) dst(%arg8 : memref<80x128xf32, #tpu.memory_space<vmem_shared>>)
        tpu.yield
      }) : () -> ()
    } else {
    }
    %iota3A = tpu.iota {dimensions = array<i32: 0>} : vector<16xi32>
    %scan3A = arith.constant 0 : i32
    %scan3A_2 = arith.constant 5 : i32
    %scan3A_3 = arith.addi %scan3A, %scan3A_2 : i32
    %scan3A_4 = arith.constant 1 : i32
    scf.for %scan3A_18 = %scan3A to %scan3A_3 step %scan3A_4  : i32 {
      %mul3A = arith.constant 1 : i32
      %mul3A_19 = arith.muli %scan3A_18, %mul3A : i32
      %add3A = arith.constant 0 : i32
      %add3A_20 = arith.addi %add3A, %mul3A_19 : i32
      %mul3A_21 = arith.constant 16 : i32
      %mul3A_22 = arith.muli %add3A_20, %mul3A_21 : i32
      %add3A_23 = vector.broadcast %mul3A_22 : i32 to vector<16xi32>
      %add3A_24 = arith.addi %iota3A, %add3A_23 : vector<16xi32>
      %mul3A_25 = arith.constant 16 : i32
      %mul3A_26 = arith.muli %add3A_20, %mul3A_25 : i32
      %swap3A = arith.index_cast %mul3A_26 : i32 to index
      %swap3A_27 = tpu.vector_load %arg7[%swap3A] {strides = array<i32>} : memref<80xi32, #tpu.memory_space<vmem>>, vector<16xi32>,
      tpu.vector_store %arg7[%swap3A], %add3A_24 {strides = array<i32>} : memref<80xi32, #tpu.memory_space<vmem>>, vector<16xi32>,
    }
    %scan3A_5 = arith.constant 5 : i32
    %broadcast_in_dim3A = arith.constant 1.000000e+00 : f32
    %broadcast_in_dim3A_6 = vector.broadcast %broadcast_in_dim3A : f32 to vector<16xf32>
    %scan3A_7 = arith.constant 0 : i32
    %scan3A_8 = arith.constant 320 : i32
    %scan3A_9 = arith.addi %scan3A_7, %scan3A_8 : i32
    %scan3A_10 = arith.constant 1 : i32
    scf.for %scan3A_18 = %scan3A_7 to %scan3A_9 step %scan3A_10  : i32 {
      %mul3A = arith.constant 1 : i32
      %mul3A_19 = arith.muli %scan3A_18, %mul3A : i32
      %add3A = arith.constant 0 : i32
      %add3A_20 = arith.addi %add3A, %mul3A_19 : i32
      %mul3A_21 = arith.constant 16 : i32
      %mul3A_22 = arith.muli %add3A_20, %mul3A_21 : i32
      %get3A = arith.index_cast %mul3A_22 : i32 to index
      %get3A_23 = tpu.vector_load %arg5[%get3A] {strides = array<i32>} : memref<5120xi32, #tpu.memory_space<vmem>>, vector<16xi32>,
      %shift_right_logical3A = arith.constant 7 : i32
      %shift_right_logical3A_24 = vector.broadcast %shift_right_logical3A : i32 to vector<16xi32>
      %shift_right_logical3A_25 = arith.shrui %get3A_23, %shift_right_logical3A_24 : vector<16xi32>
      %and3A = arith.constant 127 : i32
      %and3A_26 = vector.broadcast %and3A : i32 to vector<16xi32>
      %and3A_27 = arith.andi %get3A_23, %and3A_26 : vector<16xi32>
      tpu.vector_store_idx %arg6[%shift_right_logical3A_25, %and3A_27], %broadcast_in_dim3A_6 {add = true} : memref<80x128xf32, #tpu.memory_space<vmem>>[vector<16xi32>, vector<16xi32>], vector<16xf32>,
    }
    %scan3A_11 = arith.constant 320 : i32
    %barrier3A = arith.constant 0 : index
    tpu.barrier barrier_id(%barrier3A)
    "tpu.region"() ({
      %run_scoped3A = tpu.sem_alloc : memref<!tpu.dma_semaphore, #tpu.memory_space<semaphore_mem>>
      %dma_start3A = arith.constant 0 : i32
      %dma_start3A_18 = arith.constant 0 : i32
      %dma_start3A_19 = tpu.memref_slice %arg8[%dma_start3A, %dma_start3A_18] : memref<80x128xf32, #tpu.memory_space<vmem_shared>> -> memref<80x128xf32, #tpu.memory_space<vmem_shared>>
      tpu.enqueue_indirect_dma source(%arg6 : memref<80x128xf32, #tpu.memory_space<vmem>>) target(%dma_start3A_19 : memref<80x128xf32, #tpu.memory_space<vmem_shared>>) offsets(%arg7 : memref<80xi32, #tpu.memory_space<vmem>>) semaphore(%run_scoped3A : memref<!tpu.dma_semaphore, #tpu.memory_space<semaphore_mem>>) {add = true}
      %dma_wait3A = arith.constant 0 : i32
      %dma_wait3A_20 = arith.constant 0 : i32
      %dma_wait3A_21 = tpu.memref_slice %arg8[%dma_wait3A, %dma_wait3A_20] : memref<80x128xf32, #tpu.memory_space<vmem_shared>> -> memref<80x128xf32, #tpu.memory_space<vmem_shared>>
      tpu.wait_indirect_dma semaphore(%run_scoped3A : memref<!tpu.dma_semaphore, #tpu.memory_space<semaphore_mem>>) src(%arg6 : memref<80x128xf32, #tpu.memory_space<vmem>>) dst(%dma_wait3A_21 : memref<80x128xf32, #tpu.memory_space<vmem_shared>>)
      tpu.yield
    }) : () -> ()
    %barrier3A_12 = arith.constant 0 : index
    tpu.barrier barrier_id(%barrier3A_12)
    %eq3A_13 = arith.constant 0 : i32
    %eq3A_14 = arith.cmpi eq, %arg1, %eq3A_13 : i32
    %convert_element_type3A_15 = arith.extui %eq3A_14 : i1 to i32
    %cond3A_16 = arith.constant 0 : i32
    %cond3A_17 = arith.cmpi ne, %convert_element_type3A_15, %cond3A_16 : i32
    scf.if %cond3A_17 {
      "tpu.region"() ({
        %run_scoped3A = tpu.sem_alloc : memref<!tpu.dma_semaphore, #tpu.memory_space<semaphore_mem>>
        %dma_start3A = arith.constant 0 : i32
        %dma_start3A_18 = arith.constant 0 : i32
        %dma_start3A_19 = tpu.memref_slice %arg4[%arg0, %dma_start3A, %dma_start3A_18] : memref<2x80x128xf32, #tpu.memory_space<hbm>> -> memref<1x80x128xf32, #tpu.memory_space<hbm>>
        %dma_start3A_20 = tpu.memref_squeeze %dma_start3A_19 : memref<1x80x128xf32, #tpu.memory_space<hbm>> -> memref<80x128xf32, #tpu.memory_space<hbm>>
        tpu.enqueue_dma source(%arg8 : memref<80x128xf32, #tpu.memory_space<vmem_shared>>) target(%dma_start3A_20 : memref<80x128xf32, #tpu.memory_space<hbm>>) target_semaphore(%run_scoped3A : memref<!tpu.dma_semaphore, #tpu.memory_space<semaphore_mem>>)
        %dma_wait3A = arith.constant 0 : i32
        %dma_wait3A_21 = arith.constant 0 : i32
        %dma_wait3A_22 = tpu.memref_slice %arg4[%arg0, %dma_wait3A, %dma_wait3A_21] : memref<2x80x128xf32, #tpu.memory_space<hbm>> -> memref<1x80x128xf32, #tpu.memory_space<hbm>>
        %dma_wait3A_23 = tpu.memref_squeeze %dma_wait3A_22 : memref<1x80x128xf32, #tpu.memory_space<hbm>> -> memref<80x128xf32, #tpu.memory_space<hbm>>
        tpu.wait_dma2 semaphore(%run_scoped3A : memref<!tpu.dma_semaphore, #tpu.memory_space<semaphore_mem>>) src(%arg8 : memref<80x128xf32, #tpu.memory_space<vmem_shared>>) dst(%dma_wait3A_23 : memref<80x128xf32, #tpu.memory_space<hbm>>)
        tpu.yield
      }) : () -> ()
    } else {
    }
    return
  }
}

#map = affine_map<(d0, d1) -> (0, 0)>
#map1 = affine_map<(d0, d1) -> (0, 0, 0, 0)>
module attributes {stable_mosaic.version = 14 : i64} {
  func.func @scatter_kernel(%arg0: i32, %arg1: i32, %arg2: memref<10240x128xf32, #tpu.memory_space<hbm>>, %arg3: memref<2x16x40x128xi32, #tpu.memory_space<hbm>>, %arg4: memref<2x16x40x128xi32, #tpu.memory_space<hbm>>, %arg5: memref<640x128xf32, #tpu.memory_space<hbm>>, %arg6: memref<20480x128xf32, #tpu.memory_space<hbm>>, %arg7: memref<40x128xi32, #tpu.memory_space<vmem>>, %arg8: memref<40x128xi32, #tpu.memory_space<vmem>>, %arg9: memref<128x128xf32, #tpu.memory_space<vmem>>, %arg10: memref<128x128xf32, #tpu.memory_space<vmem>>, %arg11: memref<10240x128xf32, #tpu.memory_space<vmem_shared>>, %arg12: memref<!tpu.dma_semaphore, #tpu.memory_space<semaphore_mem>>, %arg13: memref<!tpu.dma_semaphore, #tpu.memory_space<semaphore_mem>>) attributes {dimension_semantics = [#tpu.dimension_semantics<core_parallel>, #tpu.dimension_semantics<subcore_parallel>], iteration_bounds = array<i64: 2, 16>, scalar_prefetch = 0 : i64, scratch_operands = 7 : i64, tpu.core_type = #tpu.core_type<sc_vector_subcore>, window_params = [{transform_indices = #map}, {transform_indices = #map1}, {transform_indices = #map1}, {transform_indices = #map}, {transform_indices = #map}]} {
    %mul3A = arith.constant 640 : i32
    %mul3A_0 = arith.muli %arg1, %mul3A : i32
    "tpu.region"() ({
      %run_scoped3A = tpu.sem_alloc : memref<!tpu.dma_semaphore, #tpu.memory_space<semaphore_mem>>
      %dma_start3A_28 = arith.constant 0 : i32
      %dma_start3A_29 = tpu.memref_slice %arg11[%mul3A_0, %dma_start3A_28] : memref<10240x128xf32, #tpu.memory_space<vmem_shared>> -> memref<640x128xf32, #tpu.memory_space<vmem_shared>>
      tpu.enqueue_dma source(%arg5 : memref<640x128xf32, #tpu.memory_space<hbm>>) target(%dma_start3A_29 : memref<640x128xf32, #tpu.memory_space<vmem_shared>>) target_semaphore(%run_scoped3A : memref<!tpu.dma_semaphore, #tpu.memory_space<semaphore_mem>>)
      %dma_wait3A = arith.constant 0 : i32
      %dma_wait3A_30 = tpu.memref_slice %arg11[%mul3A_0, %dma_wait3A] : memref<10240x128xf32, #tpu.memory_space<vmem_shared>> -> memref<640x128xf32, #tpu.memory_space<vmem_shared>>
      tpu.wait_dma2 semaphore(%run_scoped3A : memref<!tpu.dma_semaphore, #tpu.memory_space<semaphore_mem>>) src(%arg5 : memref<640x128xf32, #tpu.memory_space<hbm>>) dst(%dma_wait3A_30 : memref<640x128xf32, #tpu.memory_space<vmem_shared>>)
      tpu.yield
    }) : () -> ()
    %barrier3A = arith.constant 0 : index
    tpu.barrier barrier_id(%barrier3A)
    %scan3A = arith.constant 0 : i32
    %mul3A_1 = arith.constant 1 : i32
    %mul3A_2 = arith.muli %scan3A, %mul3A_1 : i32
    %add3A = arith.constant 0 : i32
    %add3A_3 = arith.addi %add3A, %mul3A_2 : i32
    %mul3A_4 = arith.constant 40 : i32
    %mul3A_5 = arith.muli %add3A_3, %mul3A_4 : i32
    "tpu.region"() ({
      %run_scoped3A = tpu.sem_alloc : memref<!tpu.dma_semaphore, #tpu.memory_space<semaphore_mem>>
      %dma_start3A_28 = arith.constant 0 : i32
      %dma_start3A_29 = tpu.memref_slice %arg3[%arg0, %arg1, %mul3A_5, %dma_start3A_28] : memref<2x16x40x128xi32, #tpu.memory_space<hbm>> -> memref<1x1x40x128xi32, #tpu.memory_space<hbm>>
      %dma_start3A_30 = tpu.memref_squeeze %dma_start3A_29 : memref<1x1x40x128xi32, #tpu.memory_space<hbm>> -> memref<40x128xi32, #tpu.memory_space<hbm>>
      %dma_start3A_31 = arith.constant 0 : i32
      %dma_start3A_32 = tpu.memref_slice %arg3[%arg0, %arg1, %mul3A_5, %dma_start3A_31] : memref<2x16x40x128xi32, #tpu.memory_space<hbm>> -> memref<1x1x40x128xi32, #tpu.memory_space<hbm>>
      %dma_start3A_33 = tpu.memref_squeeze %dma_start3A_32 : memref<1x1x40x128xi32, #tpu.memory_space<hbm>> -> memref<40x128xi32, #tpu.memory_space<hbm>>
      tpu.enqueue_dma source(%dma_start3A_33 : memref<40x128xi32, #tpu.memory_space<hbm>>) target(%arg7 : memref<40x128xi32, #tpu.memory_space<vmem>>) target_semaphore(%run_scoped3A : memref<!tpu.dma_semaphore, #tpu.memory_space<semaphore_mem>>)
      %dma_wait3A = arith.constant 0 : i32
      %dma_wait3A_34 = tpu.memref_slice %arg3[%arg0, %arg1, %mul3A_5, %dma_wait3A] : memref<2x16x40x128xi32, #tpu.memory_space<hbm>> -> memref<1x1x40x128xi32, #tpu.memory_space<hbm>>
      %dma_wait3A_35 = tpu.memref_squeeze %dma_wait3A_34 : memref<1x1x40x128xi32, #tpu.memory_space<hbm>> -> memref<40x128xi32, #tpu.memory_space<hbm>>
      %dma_wait3A_36 = arith.constant 0 : i32
      %dma_wait3A_37 = tpu.memref_slice %arg3[%arg0, %arg1, %mul3A_5, %dma_wait3A_36] : memref<2x16x40x128xi32, #tpu.memory_space<hbm>> -> memref<1x1x40x128xi32, #tpu.memory_space<hbm>>
      %dma_wait3A_38 = tpu.memref_squeeze %dma_wait3A_37 : memref<1x1x40x128xi32, #tpu.memory_space<hbm>> -> memref<40x128xi32, #tpu.memory_space<hbm>>
      tpu.wait_dma2 semaphore(%run_scoped3A : memref<!tpu.dma_semaphore, #tpu.memory_space<semaphore_mem>>) src(%dma_wait3A_38 : memref<40x128xi32, #tpu.memory_space<hbm>>) dst(%arg7 : memref<40x128xi32, #tpu.memory_space<vmem>>)
      tpu.yield
    }) : () -> ()
    %mul3A_6 = arith.constant 40 : i32
    %mul3A_7 = arith.muli %add3A_3, %mul3A_6 : i32
    "tpu.region"() ({
      %run_scoped3A = tpu.sem_alloc : memref<!tpu.dma_semaphore, #tpu.memory_space<semaphore_mem>>
      %dma_start3A_28 = arith.constant 0 : i32
      %dma_start3A_29 = tpu.memref_slice %arg4[%arg0, %arg1, %mul3A_7, %dma_start3A_28] : memref<2x16x40x128xi32, #tpu.memory_space<hbm>> -> memref<1x1x40x128xi32, #tpu.memory_space<hbm>>
      %dma_start3A_30 = tpu.memref_squeeze %dma_start3A_29 : memref<1x1x40x128xi32, #tpu.memory_space<hbm>> -> memref<40x128xi32, #tpu.memory_space<hbm>>
      %dma_start3A_31 = arith.constant 0 : i32
      %dma_start3A_32 = tpu.memref_slice %arg4[%arg0, %arg1, %mul3A_7, %dma_start3A_31] : memref<2x16x40x128xi32, #tpu.memory_space<hbm>> -> memref<1x1x40x128xi32, #tpu.memory_space<hbm>>
      %dma_start3A_33 = tpu.memref_squeeze %dma_start3A_32 : memref<1x1x40x128xi32, #tpu.memory_space<hbm>> -> memref<40x128xi32, #tpu.memory_space<hbm>>
      tpu.enqueue_dma source(%dma_start3A_33 : memref<40x128xi32, #tpu.memory_space<hbm>>) target(%arg8 : memref<40x128xi32, #tpu.memory_space<vmem>>) target_semaphore(%run_scoped3A : memref<!tpu.dma_semaphore, #tpu.memory_space<semaphore_mem>>)
      %dma_wait3A = arith.constant 0 : i32
      %dma_wait3A_34 = tpu.memref_slice %arg4[%arg0, %arg1, %mul3A_7, %dma_wait3A] : memref<2x16x40x128xi32, #tpu.memory_space<hbm>> -> memref<1x1x40x128xi32, #tpu.memory_space<hbm>>
      %dma_wait3A_35 = tpu.memref_squeeze %dma_wait3A_34 : memref<1x1x40x128xi32, #tpu.memory_space<hbm>> -> memref<40x128xi32, #tpu.memory_space<hbm>>
      %dma_wait3A_36 = arith.constant 0 : i32
      %dma_wait3A_37 = tpu.memref_slice %arg4[%arg0, %arg1, %mul3A_7, %dma_wait3A_36] : memref<2x16x40x128xi32, #tpu.memory_space<hbm>> -> memref<1x1x40x128xi32, #tpu.memory_space<hbm>>
      %dma_wait3A_38 = tpu.memref_squeeze %dma_wait3A_37 : memref<1x1x40x128xi32, #tpu.memory_space<hbm>> -> memref<40x128xi32, #tpu.memory_space<hbm>>
      tpu.wait_dma2 semaphore(%run_scoped3A : memref<!tpu.dma_semaphore, #tpu.memory_space<semaphore_mem>>) src(%dma_wait3A_38 : memref<40x128xi32, #tpu.memory_space<hbm>>) dst(%arg8 : memref<40x128xi32, #tpu.memory_space<vmem>>)
      tpu.yield
    }) : () -> ()
    %dma_start3A = arith.constant 0 : i32
    %dma_start3A_8 = arith.constant 0 : i32
    %dma_start3A_9 = tpu.memref_slice %arg7[%dma_start3A, %dma_start3A_8] : memref<40x128xi32, #tpu.memory_space<vmem>> -> memref<1x128xi32, #tpu.memory_space<vmem>>
    %dma_start3A_10 = tpu.memref_squeeze %dma_start3A_9 : memref<1x128xi32, #tpu.memory_space<vmem>> -> memref<128xi32, #tpu.memory_space<vmem>>
    %dma_start3A_11 = arith.constant 0 : i32
    %dma_start3A_12 = arith.constant 0 : i32
    %dma_start3A_13 = tpu.memref_slice %arg2[%dma_start3A_11, %dma_start3A_12] : memref<10240x128xf32, #tpu.memory_space<hbm>> -> memref<10240x128xf32, #tpu.memory_space<hbm>>
    tpu.enqueue_indirect_dma source(%dma_start3A_13 : memref<10240x128xf32, #tpu.memory_space<hbm>>) target(%arg9 : memref<128x128xf32, #tpu.memory_space<vmem>>) offsets(%dma_start3A_10 : memref<128xi32, #tpu.memory_space<vmem>>) semaphore(%arg12 : memref<!tpu.dma_semaphore, #tpu.memory_space<semaphore_mem>>)
    %scan3A_14 = arith.constant 0 : i32
    %scan3A_15 = arith.constant 20 : i32
    %scan3A_16 = arith.addi %scan3A_14, %scan3A_15 : i32
    %scan3A_17 = arith.constant 1 : i32
    scf.for %scan3A_28 = %scan3A_14 to %scan3A_16 step %scan3A_17  : i32 {
      %mul3A_29 = arith.constant 2 : i32
      %mul3A_30 = arith.muli %scan3A_28, %mul3A_29 : i32
      %add3A_31 = arith.constant 0 : i32
      %add3A_32 = arith.addi %add3A_31, %mul3A_30 : i32
      %add3A_33 = arith.constant 1 : i32
      %add3A_34 = arith.addi %add3A_32, %add3A_33 : i32
      %dma_start3A_35 = arith.constant 0 : i32
      %dma_start3A_36 = tpu.memref_slice %arg7[%add3A_34, %dma_start3A_35] : memref<40x128xi32, #tpu.memory_space<vmem>> -> memref<1x128xi32, #tpu.memory_space<vmem>>
      %dma_start3A_37 = tpu.memref_squeeze %dma_start3A_36 : memref<1x128xi32, #tpu.memory_space<vmem>> -> memref<128xi32, #tpu.memory_space<vmem>>
      %dma_start3A_38 = arith.constant 0 : i32
      %dma_start3A_39 = arith.constant 0 : i32
      %dma_start3A_40 = tpu.memref_slice %arg2[%dma_start3A_38, %dma_start3A_39] : memref<10240x128xf32, #tpu.memory_space<hbm>> -> memref<10240x128xf32, #tpu.memory_space<hbm>>
      tpu.enqueue_indirect_dma source(%dma_start3A_40 : memref<10240x128xf32, #tpu.memory_space<hbm>>) target(%arg10 : memref<128x128xf32, #tpu.memory_space<vmem>>) offsets(%dma_start3A_37 : memref<128xi32, #tpu.memory_space<vmem>>) semaphore(%arg13 : memref<!tpu.dma_semaphore, #tpu.memory_space<semaphore_mem>>)
      %dma_wait3A = arith.constant 0 : i32
      %dma_wait3A_41 = arith.constant 0 : i32
      %dma_wait3A_42 = tpu.memref_slice %arg7[%dma_wait3A, %dma_wait3A_41] : memref<40x128xi32, #tpu.memory_space<vmem>> -> memref<1x128xi32, #tpu.memory_space<vmem>>
      %dma_wait3A_43 = tpu.memref_squeeze %dma_wait3A_42 : memref<1x128xi32, #tpu.memory_space<vmem>> -> memref<128xi32, #tpu.memory_space<vmem>>
      %dma_wait3A_44 = arith.constant 0 : i32
      %dma_wait3A_45 = arith.constant 0 : i32
      %dma_wait3A_46 = tpu.memref_slice %arg2[%dma_wait3A_44, %dma_wait3A_45] : memref<10240x128xf32, #tpu.memory_space<hbm>> -> memref<10240x128xf32, #tpu.memory_space<hbm>>
      tpu.wait_indirect_dma semaphore(%arg12 : memref<!tpu.dma_semaphore, #tpu.memory_space<semaphore_mem>>) src(%dma_wait3A_46 : memref<10240x128xf32, #tpu.memory_space<hbm>>) dst(%arg9 : memref<128x128xf32, #tpu.memory_space<vmem>>)
      "tpu.region"() ({
        %run_scoped3A = tpu.sem_alloc : memref<!tpu.dma_semaphore, #tpu.memory_space<semaphore_mem>>
        %dma_start3A_60 = arith.constant 0 : i32
        %dma_start3A_61 = tpu.memref_slice %arg8[%add3A_32, %dma_start3A_60] : memref<40x128xi32, #tpu.memory_space<vmem>> -> memref<1x128xi32, #tpu.memory_space<vmem>>
        %dma_start3A_62 = tpu.memref_squeeze %dma_start3A_61 : memref<1x128xi32, #tpu.memory_space<vmem>> -> memref<128xi32, #tpu.memory_space<vmem>>
        %dma_start3A_63 = arith.constant 0 : i32
        %dma_start3A_64 = arith.constant 0 : i32
        %dma_start3A_65 = tpu.memref_slice %arg11[%dma_start3A_63, %dma_start3A_64] : memref<10240x128xf32, #tpu.memory_space<vmem_shared>> -> memref<10240x128xf32, #tpu.memory_space<vmem_shared>>
        tpu.enqueue_indirect_dma source(%arg9 : memref<128x128xf32, #tpu.memory_space<vmem>>) target(%dma_start3A_65 : memref<10240x128xf32, #tpu.memory_space<vmem_shared>>) offsets(%dma_start3A_62 : memref<128xi32, #tpu.memory_space<vmem>>) semaphore(%run_scoped3A : memref<!tpu.dma_semaphore, #tpu.memory_space<semaphore_mem>>) {add = true}
        %dma_wait3A_66 = arith.constant 0 : i32
        %dma_wait3A_67 = tpu.memref_slice %arg8[%add3A_32, %dma_wait3A_66] : memref<40x128xi32, #tpu.memory_space<vmem>> -> memref<1x128xi32, #tpu.memory_space<vmem>>
        %dma_wait3A_68 = tpu.memref_squeeze %dma_wait3A_67 : memref<1x128xi32, #tpu.memory_space<vmem>> -> memref<128xi32, #tpu.memory_space<vmem>>
        %dma_wait3A_69 = arith.constant 0 : i32
        %dma_wait3A_70 = arith.constant 0 : i32
        %dma_wait3A_71 = tpu.memref_slice %arg11[%dma_wait3A_69, %dma_wait3A_70] : memref<10240x128xf32, #tpu.memory_space<vmem_shared>> -> memref<10240x128xf32, #tpu.memory_space<vmem_shared>>
        tpu.wait_indirect_dma semaphore(%run_scoped3A : memref<!tpu.dma_semaphore, #tpu.memory_space<semaphore_mem>>) src(%arg9 : memref<128x128xf32, #tpu.memory_space<vmem>>) dst(%dma_wait3A_71 : memref<10240x128xf32, #tpu.memory_space<vmem_shared>>)
        tpu.yield
      }) : () -> ()
      %add3A_47 = arith.constant 2 : i32
      %add3A_48 = arith.addi %add3A_32, %add3A_47 : i32
      %lt3A = arith.constant 40 : i32
      %lt3A_49 = arith.cmpi slt, %add3A_48, %lt3A : i32
      %convert_element_type3A = arith.extui %lt3A_49 : i1 to i32
      %cond3A = arith.constant 0 : i32
      %cond3A_50 = arith.cmpi ne, %convert_element_type3A, %cond3A : i32
      scf.if %cond3A_50 {
        %add3A_60 = arith.constant 2 : i32
        %add3A_61 = arith.addi %add3A_32, %add3A_60 : i32
        %dma_start3A_62 = arith.constant 0 : i32
        %dma_start3A_63 = tpu.memref_slice %arg7[%add3A_61, %dma_start3A_62] : memref<40x128xi32, #tpu.memory_space<vmem>> -> memref<1x128xi32, #tpu.memory_space<vmem>>
        %dma_start3A_64 = tpu.memref_squeeze %dma_start3A_63 : memref<1x128xi32, #tpu.memory_space<vmem>> -> memref<128xi32, #tpu.memory_space<vmem>>
        %dma_start3A_65 = arith.constant 0 : i32
        %dma_start3A_66 = arith.constant 0 : i32
        %dma_start3A_67 = tpu.memref_slice %arg2[%dma_start3A_65, %dma_start3A_66] : memref<10240x128xf32, #tpu.memory_space<hbm>> -> memref<10240x128xf32, #tpu.memory_space<hbm>>
        tpu.enqueue_indirect_dma source(%dma_start3A_67 : memref<10240x128xf32, #tpu.memory_space<hbm>>) target(%arg9 : memref<128x128xf32, #tpu.memory_space<vmem>>) offsets(%dma_start3A_64 : memref<128xi32, #tpu.memory_space<vmem>>) semaphore(%arg12 : memref<!tpu.dma_semaphore, #tpu.memory_space<semaphore_mem>>)
      } else {
      }
      %dma_wait3A_51 = arith.constant 0 : i32
      %dma_wait3A_52 = arith.constant 0 : i32
      %dma_wait3A_53 = tpu.memref_slice %arg7[%dma_wait3A_51, %dma_wait3A_52] : memref<40x128xi32, #tpu.memory_space<vmem>> -> memref<1x128xi32, #tpu.memory_space<vmem>>
      %dma_wait3A_54 = tpu.memref_squeeze %dma_wait3A_53 : memref<1x128xi32, #tpu.memory_space<vmem>> -> memref<128xi32, #tpu.memory_space<vmem>>
      %dma_wait3A_55 = arith.constant 0 : i32
      %dma_wait3A_56 = arith.constant 0 : i32
      %dma_wait3A_57 = tpu.memref_slice %arg2[%dma_wait3A_55, %dma_wait3A_56] : memref<10240x128xf32, #tpu.memory_space<hbm>> -> memref<10240x128xf32, #tpu.memory_space<hbm>>
      tpu.wait_indirect_dma semaphore(%arg13 : memref<!tpu.dma_semaphore, #tpu.memory_space<semaphore_mem>>) src(%dma_wait3A_57 : memref<10240x128xf32, #tpu.memory_space<hbm>>) dst(%arg10 : memref<128x128xf32, #tpu.memory_space<vmem>>)
      %add3A_58 = arith.constant 1 : i32
      %add3A_59 = arith.addi %add3A_32, %add3A_58 : i32
      "tpu.region"() ({
        %run_scoped3A = tpu.sem_alloc : memref<!tpu.dma_semaphore, #tpu.memory_space<semaphore_mem>>
        %dma_start3A_60 = arith.constant 0 : i32
        %dma_start3A_61 = tpu.memref_slice %arg8[%add3A_59, %dma_start3A_60] : memref<40x128xi32, #tpu.memory_space<vmem>> -> memref<1x128xi32, #tpu.memory_space<vmem>>
        %dma_start3A_62 = tpu.memref_squeeze %dma_start3A_61 : memref<1x128xi32, #tpu.memory_space<vmem>> -> memref<128xi32, #tpu.memory_space<vmem>>
        %dma_start3A_63 = arith.constant 0 : i32
        %dma_start3A_64 = arith.constant 0 : i32
        %dma_start3A_65 = tpu.memref_slice %arg11[%dma_start3A_63, %dma_start3A_64] : memref<10240x128xf32, #tpu.memory_space<vmem_shared>> -> memref<10240x128xf32, #tpu.memory_space<vmem_shared>>
        tpu.enqueue_indirect_dma source(%arg10 : memref<128x128xf32, #tpu.memory_space<vmem>>) target(%dma_start3A_65 : memref<10240x128xf32, #tpu.memory_space<vmem_shared>>) offsets(%dma_start3A_62 : memref<128xi32, #tpu.memory_space<vmem>>) semaphore(%run_scoped3A : memref<!tpu.dma_semaphore, #tpu.memory_space<semaphore_mem>>) {add = true}
        %dma_wait3A_66 = arith.constant 0 : i32
        %dma_wait3A_67 = tpu.memref_slice %arg8[%add3A_59, %dma_wait3A_66] : memref<40x128xi32, #tpu.memory_space<vmem>> -> memref<1x128xi32, #tpu.memory_space<vmem>>
        %dma_wait3A_68 = tpu.memref_squeeze %dma_wait3A_67 : memref<1x128xi32, #tpu.memory_space<vmem>> -> memref<128xi32, #tpu.memory_space<vmem>>
        %dma_wait3A_69 = arith.constant 0 : i32
        %dma_wait3A_70 = arith.constant 0 : i32
        %dma_wait3A_71 = tpu.memref_slice %arg11[%dma_wait3A_69, %dma_wait3A_70] : memref<10240x128xf32, #tpu.memory_space<vmem_shared>> -> memref<10240x128xf32, #tpu.memory_space<vmem_shared>>
        tpu.wait_indirect_dma semaphore(%run_scoped3A : memref<!tpu.dma_semaphore, #tpu.memory_space<semaphore_mem>>) src(%arg10 : memref<128x128xf32, #tpu.memory_space<vmem>>) dst(%dma_wait3A_71 : memref<10240x128xf32, #tpu.memory_space<vmem_shared>>)
        tpu.yield
      }) : () -> ()
    }
    %scan3A_18 = arith.constant 20 : i32
    %scan3A_19 = arith.constant 1 : i32
    %barrier3A_20 = arith.constant 0 : index
    tpu.barrier barrier_id(%barrier3A_20)
    %mul3A_21 = arith.constant 640 : i32
    %mul3A_22 = arith.muli %arg1, %mul3A_21 : i32
    %mul3A_23 = arith.constant 10240 : i32
    %mul3A_24 = arith.muli %arg0, %mul3A_23 : i32
    %mul3A_25 = arith.constant 640 : i32
    %mul3A_26 = arith.muli %arg1, %mul3A_25 : i32
    %add3A_27 = arith.addi %mul3A_24, %mul3A_26 : i32
    "tpu.region"() ({
      %run_scoped3A = tpu.sem_alloc : memref<!tpu.dma_semaphore, #tpu.memory_space<semaphore_mem>>
      %dma_start3A_28 = arith.constant 0 : i32
      %dma_start3A_29 = tpu.memref_slice %arg6[%add3A_27, %dma_start3A_28] : memref<20480x128xf32, #tpu.memory_space<hbm>> -> memref<640x128xf32, #tpu.memory_space<hbm>>
      %dma_start3A_30 = arith.constant 0 : i32
      %dma_start3A_31 = tpu.memref_slice %arg11[%mul3A_22, %dma_start3A_30] : memref<10240x128xf32, #tpu.memory_space<vmem_shared>> -> memref<640x128xf32, #tpu.memory_space<vmem_shared>>
      tpu.enqueue_dma source(%dma_start3A_31 : memref<640x128xf32, #tpu.memory_space<vmem_shared>>) target(%dma_start3A_29 : memref<640x128xf32, #tpu.memory_space<hbm>>) target_semaphore(%run_scoped3A : memref<!tpu.dma_semaphore, #tpu.memory_space<semaphore_mem>>)
      %dma_wait3A = arith.constant 0 : i32
      %dma_wait3A_32 = tpu.memref_slice %arg6[%add3A_27, %dma_wait3A] : memref<20480x128xf32, #tpu.memory_space<hbm>> -> memref<640x128xf32, #tpu.memory_space<hbm>>
      %dma_wait3A_33 = arith.constant 0 : i32
      %dma_wait3A_34 = tpu.memref_slice %arg11[%mul3A_22, %dma_wait3A_33] : memref<10240x128xf32, #tpu.memory_space<vmem_shared>> -> memref<640x128xf32, #tpu.memory_space<vmem_shared>>
      tpu.wait_dma2 semaphore(%run_scoped3A : memref<!tpu.dma_semaphore, #tpu.memory_space<semaphore_mem>>) src(%dma_wait3A_34 : memref<640x128xf32, #tpu.memory_space<vmem_shared>>) dst(%dma_wait3A_32 : memref<640x128xf32, #tpu.memory_space<hbm>>)
      tpu.yield
    }) : () -> ()
    return
  }
}

#map = affine_map<(d0, d1) -> (0, 0)>
#map1 = affine_map<(d0, d1) -> (0, 0, 0, 0)>
module attributes {stable_mosaic.version = 14 : i64} {
  func.func @scatter_kernel(%arg0: i32, %arg1: i32, %arg2: memref<20480x128xf32, #tpu.memory_space<hbm>>, %arg3: memref<2x16x80x128xi32, #tpu.memory_space<hbm>>, %arg4: memref<2x16x80x128xi32, #tpu.memory_space<hbm>>, %arg5: memref<640x128xf32, #tpu.memory_space<hbm>>, %arg6: memref<20480x128xf32, #tpu.memory_space<hbm>>, %arg7: memref<40x128xi32, #tpu.memory_space<vmem>>, %arg8: memref<40x128xi32, #tpu.memory_space<vmem>>, %arg9: memref<128x128xf32, #tpu.memory_space<vmem>>, %arg10: memref<128x128xf32, #tpu.memory_space<vmem>>, %arg11: memref<10240x128xf32, #tpu.memory_space<vmem_shared>>, %arg12: memref<!tpu.dma_semaphore, #tpu.memory_space<semaphore_mem>>, %arg13: memref<!tpu.dma_semaphore, #tpu.memory_space<semaphore_mem>>) attributes {dimension_semantics = [#tpu.dimension_semantics<core_parallel>, #tpu.dimension_semantics<subcore_parallel>], iteration_bounds = array<i64: 2, 16>, scalar_prefetch = 0 : i64, scratch_operands = 7 : i64, tpu.core_type = #tpu.core_type<sc_vector_subcore>, window_params = [{transform_indices = #map}, {transform_indices = #map1}, {transform_indices = #map1}, {transform_indices = #map}, {transform_indices = #map}]} {
    %mul3A = arith.constant 10240 : i32
    %mul3A_0 = arith.muli %arg0, %mul3A : i32
    %mul3A_1 = arith.constant 640 : i32
    %mul3A_2 = arith.muli %arg1, %mul3A_1 : i32
    %add3A = arith.addi %mul3A_0, %mul3A_2 : i32
    %mul3A_3 = arith.constant 640 : i32
    %mul3A_4 = arith.muli %arg1, %mul3A_3 : i32
    "tpu.region"() ({
      %run_scoped3A = tpu.sem_alloc : memref<!tpu.dma_semaphore, #tpu.memory_space<semaphore_mem>>
      %dma_start3A = arith.constant 0 : i32
      %dma_start3A_17 = tpu.memref_slice %arg11[%mul3A_4, %dma_start3A] : memref<10240x128xf32, #tpu.memory_space<vmem_shared>> -> memref<640x128xf32, #tpu.memory_space<vmem_shared>>
      %dma_start3A_18 = arith.constant 0 : i32
      %dma_start3A_19 = tpu.memref_slice %arg2[%add3A, %dma_start3A_18] : memref<20480x128xf32, #tpu.memory_space<hbm>> -> memref<640x128xf32, #tpu.memory_space<hbm>>
      tpu.enqueue_dma source(%dma_start3A_19 : memref<640x128xf32, #tpu.memory_space<hbm>>) target(%dma_start3A_17 : memref<640x128xf32, #tpu.memory_space<vmem_shared>>) target_semaphore(%run_scoped3A : memref<!tpu.dma_semaphore, #tpu.memory_space<semaphore_mem>>)
      %dma_wait3A = arith.constant 0 : i32
      %dma_wait3A_20 = tpu.memref_slice %arg11[%mul3A_4, %dma_wait3A] : memref<10240x128xf32, #tpu.memory_space<vmem_shared>> -> memref<640x128xf32, #tpu.memory_space<vmem_shared>>
      %dma_wait3A_21 = arith.constant 0 : i32
      %dma_wait3A_22 = tpu.memref_slice %arg2[%add3A, %dma_wait3A_21] : memref<20480x128xf32, #tpu.memory_space<hbm>> -> memref<640x128xf32, #tpu.memory_space<hbm>>
      tpu.wait_dma2 semaphore(%run_scoped3A : memref<!tpu.dma_semaphore, #tpu.memory_space<semaphore_mem>>) src(%dma_wait3A_22 : memref<640x128xf32, #tpu.memory_space<hbm>>) dst(%dma_wait3A_20 : memref<640x128xf32, #tpu.memory_space<vmem_shared>>)
      tpu.yield
    }) : () -> ()
    %barrier3A = arith.constant 0 : index
    tpu.barrier barrier_id(%barrier3A)
    %scan3A = arith.constant 0 : i32
    %scan3A_5 = arith.constant 2 : i32
    %scan3A_6 = arith.addi %scan3A, %scan3A_5 : i32
    %scan3A_7 = arith.constant 1 : i32
    scf.for %scan3A_17 = %scan3A to %scan3A_6 step %scan3A_7  : i32 {
      %mul3A_18 = arith.constant 1 : i32
      %mul3A_19 = arith.muli %scan3A_17, %mul3A_18 : i32
      %add3A_20 = arith.constant 0 : i32
      %add3A_21 = arith.addi %add3A_20, %mul3A_19 : i32
      %mul3A_22 = arith.constant 40 : i32
      %mul3A_23 = arith.muli %add3A_21, %mul3A_22 : i32
      "tpu.region"() ({
        %run_scoped3A = tpu.sem_alloc : memref<!tpu.dma_semaphore, #tpu.memory_space<semaphore_mem>>
        %dma_start3A_37 = arith.constant 0 : i32
        %dma_start3A_38 = tpu.memref_slice %arg3[%arg0, %arg1, %mul3A_23, %dma_start3A_37] : memref<2x16x80x128xi32, #tpu.memory_space<hbm>> -> memref<1x1x40x128xi32, #tpu.memory_space<hbm>>
        %dma_start3A_39 = tpu.memref_squeeze %dma_start3A_38 : memref<1x1x40x128xi32, #tpu.memory_space<hbm>> -> memref<40x128xi32, #tpu.memory_space<hbm>>
        %dma_start3A_40 = arith.constant 0 : i32
        %dma_start3A_41 = tpu.memref_slice %arg3[%arg0, %arg1, %mul3A_23, %dma_start3A_40] : memref<2x16x80x128xi32, #tpu.memory_space<hbm>> -> memref<1x1x40x128xi32, #tpu.memory_space<hbm>>
        %dma_start3A_42 = tpu.memref_squeeze %dma_start3A_41 : memref<1x1x40x128xi32, #tpu.memory_space<hbm>> -> memref<40x128xi32, #tpu.memory_space<hbm>>
        tpu.enqueue_dma source(%dma_start3A_42 : memref<40x128xi32, #tpu.memory_space<hbm>>) target(%arg7 : memref<40x128xi32, #tpu.memory_space<vmem>>) target_semaphore(%run_scoped3A : memref<!tpu.dma_semaphore, #tpu.memory_space<semaphore_mem>>)
        %dma_wait3A = arith.constant 0 : i32
        %dma_wait3A_43 = tpu.memref_slice %arg3[%arg0, %arg1, %mul3A_23, %dma_wait3A] : memref<2x16x80x128xi32, #tpu.memory_space<hbm>> -> memref<1x1x40x128xi32, #tpu.memory_space<hbm>>
        %dma_wait3A_44 = tpu.memref_squeeze %dma_wait3A_43 : memref<1x1x40x128xi32, #tpu.memory_space<hbm>> -> memref<40x128xi32, #tpu.memory_space<hbm>>
        %dma_wait3A_45 = arith.constant 0 : i32
        %dma_wait3A_46 = tpu.memref_slice %arg3[%arg0, %arg1, %mul3A_23, %dma_wait3A_45] : memref<2x16x80x128xi32, #tpu.memory_space<hbm>> -> memref<1x1x40x128xi32, #tpu.memory_space<hbm>>
        %dma_wait3A_47 = tpu.memref_squeeze %dma_wait3A_46 : memref<1x1x40x128xi32, #tpu.memory_space<hbm>> -> memref<40x128xi32, #tpu.memory_space<hbm>>
        tpu.wait_dma2 semaphore(%run_scoped3A : memref<!tpu.dma_semaphore, #tpu.memory_space<semaphore_mem>>) src(%dma_wait3A_47 : memref<40x128xi32, #tpu.memory_space<hbm>>) dst(%arg7 : memref<40x128xi32, #tpu.memory_space<vmem>>)
        tpu.yield
      }) : () -> ()
      %mul3A_24 = arith.constant 40 : i32
      %mul3A_25 = arith.muli %add3A_21, %mul3A_24 : i32
      "tpu.region"() ({
        %run_scoped3A = tpu.sem_alloc : memref<!tpu.dma_semaphore, #tpu.memory_space<semaphore_mem>>
        %dma_start3A_37 = arith.constant 0 : i32
        %dma_start3A_38 = tpu.memref_slice %arg4[%arg0, %arg1, %mul3A_25, %dma_start3A_37] : memref<2x16x80x128xi32, #tpu.memory_space<hbm>> -> memref<1x1x40x128xi32, #tpu.memory_space<hbm>>
        %dma_start3A_39 = tpu.memref_squeeze %dma_start3A_38 : memref<1x1x40x128xi32, #tpu.memory_space<hbm>> -> memref<40x128xi32, #tpu.memory_space<hbm>>
        %dma_start3A_40 = arith.constant 0 : i32
        %dma_start3A_41 = tpu.memref_slice %arg4[%arg0, %arg1, %mul3A_25, %dma_start3A_40] : memref<2x16x80x128xi32, #tpu.memory_space<hbm>> -> memref<1x1x40x128xi32, #tpu.memory_space<hbm>>
        %dma_start3A_42 = tpu.memref_squeeze %dma_start3A_41 : memref<1x1x40x128xi32, #tpu.memory_space<hbm>> -> memref<40x128xi32, #tpu.memory_space<hbm>>
        tpu.enqueue_dma source(%dma_start3A_42 : memref<40x128xi32, #tpu.memory_space<hbm>>) target(%arg8 : memref<40x128xi32, #tpu.memory_space<vmem>>) target_semaphore(%run_scoped3A : memref<!tpu.dma_semaphore, #tpu.memory_space<semaphore_mem>>)
        %dma_wait3A = arith.constant 0 : i32
        %dma_wait3A_43 = tpu.memref_slice %arg4[%arg0, %arg1, %mul3A_25, %dma_wait3A] : memref<2x16x80x128xi32, #tpu.memory_space<hbm>> -> memref<1x1x40x128xi32, #tpu.memory_space<hbm>>
        %dma_wait3A_44 = tpu.memref_squeeze %dma_wait3A_43 : memref<1x1x40x128xi32, #tpu.memory_space<hbm>> -> memref<40x128xi32, #tpu.memory_space<hbm>>
        %dma_wait3A_45 = arith.constant 0 : i32
        %dma_wait3A_46 = tpu.memref_slice %arg4[%arg0, %arg1, %mul3A_25, %dma_wait3A_45] : memref<2x16x80x128xi32, #tpu.memory_space<hbm>> -> memref<1x1x40x128xi32, #tpu.memory_space<hbm>>
        %dma_wait3A_47 = tpu.memref_squeeze %dma_wait3A_46 : memref<1x1x40x128xi32, #tpu.memory_space<hbm>> -> memref<40x128xi32, #tpu.memory_space<hbm>>
        tpu.wait_dma2 semaphore(%run_scoped3A : memref<!tpu.dma_semaphore, #tpu.memory_space<semaphore_mem>>) src(%dma_wait3A_47 : memref<40x128xi32, #tpu.memory_space<hbm>>) dst(%arg8 : memref<40x128xi32, #tpu.memory_space<vmem>>)
        tpu.yield
      }) : () -> ()
      %dma_start3A = arith.constant 0 : i32
      %dma_start3A_26 = arith.constant 0 : i32
      %dma_start3A_27 = tpu.memref_slice %arg7[%dma_start3A, %dma_start3A_26] : memref<40x128xi32, #tpu.memory_space<vmem>> -> memref<1x128xi32, #tpu.memory_space<vmem>>
      %dma_start3A_28 = tpu.memref_squeeze %dma_start3A_27 : memref<1x128xi32, #tpu.memory_space<vmem>> -> memref<128xi32, #tpu.memory_space<vmem>>
      %dma_start3A_29 = arith.constant 0 : i32
      %dma_start3A_30 = arith.constant 0 : i32
      %dma_start3A_31 = tpu.memref_slice %arg2[%dma_start3A_29, %dma_start3A_30] : memref<20480x128xf32, #tpu.memory_space<hbm>> -> memref<20480x128xf32, #tpu.memory_space<hbm>>
      tpu.enqueue_indirect_dma source(%dma_start3A_31 : memref<20480x128xf32, #tpu.memory_space<hbm>>) target(%arg9 : memref<128x128xf32, #tpu.memory_space<vmem>>) offsets(%dma_start3A_28 : memref<128xi32, #tpu.memory_space<vmem>>) semaphore(%arg12 : memref<!tpu.dma_semaphore, #tpu.memory_space<semaphore_mem>>)
      %scan3A_32 = arith.constant 0 : i32
      %scan3A_33 = arith.constant 20 : i32
      %scan3A_34 = arith.addi %scan3A_32, %scan3A_33 : i32
      %scan3A_35 = arith.constant 1 : i32
      scf.for %scan3A_37 = %scan3A_32 to %scan3A_34 step %scan3A_35  : i32 {
        %mul3A_38 = arith.constant 2 : i32
        %mul3A_39 = arith.muli %scan3A_37, %mul3A_38 : i32
        %add3A_40 = arith.constant 0 : i32
        %add3A_41 = arith.addi %add3A_40, %mul3A_39 : i32
        %add3A_42 = arith.constant 1 : i32
        %add3A_43 = arith.addi %add3A_41, %add3A_42 : i32
        %dma_start3A_44 = arith.constant 0 : i32
        %dma_start3A_45 = tpu.memref_slice %arg7[%add3A_43, %dma_start3A_44] : memref<40x128xi32, #tpu.memory_space<vmem>> -> memref<1x128xi32, #tpu.memory_space<vmem>>
        %dma_start3A_46 = tpu.memref_squeeze %dma_start3A_45 : memref<1x128xi32, #tpu.memory_space<vmem>> -> memref<128xi32, #tpu.memory_space<vmem>>
        %dma_start3A_47 = arith.constant 0 : i32
        %dma_start3A_48 = arith.constant 0 : i32
        %dma_start3A_49 = tpu.memref_slice %arg2[%dma_start3A_47, %dma_start3A_48] : memref<20480x128xf32, #tpu.memory_space<hbm>> -> memref<20480x128xf32, #tpu.memory_space<hbm>>
        tpu.enqueue_indirect_dma source(%dma_start3A_49 : memref<20480x128xf32, #tpu.memory_space<hbm>>) target(%arg10 : memref<128x128xf32, #tpu.memory_space<vmem>>) offsets(%dma_start3A_46 : memref<128xi32, #tpu.memory_space<vmem>>) semaphore(%arg13 : memref<!tpu.dma_semaphore, #tpu.memory_space<semaphore_mem>>)
        %dma_wait3A = arith.constant 0 : i32
        %dma_wait3A_50 = arith.constant 0 : i32
        %dma_wait3A_51 = tpu.memref_slice %arg7[%dma_wait3A, %dma_wait3A_50] : memref<40x128xi32, #tpu.memory_space<vmem>> -> memref<1x128xi32, #tpu.memory_space<vmem>>
        %dma_wait3A_52 = tpu.memref_squeeze %dma_wait3A_51 : memref<1x128xi32, #tpu.memory_space<vmem>> -> memref<128xi32, #tpu.memory_space<vmem>>
        %dma_wait3A_53 = arith.constant 0 : i32
        %dma_wait3A_54 = arith.constant 0 : i32
        %dma_wait3A_55 = tpu.memref_slice %arg2[%dma_wait3A_53, %dma_wait3A_54] : memref<20480x128xf32, #tpu.memory_space<hbm>> -> memref<20480x128xf32, #tpu.memory_space<hbm>>
        tpu.wait_indirect_dma semaphore(%arg12 : memref<!tpu.dma_semaphore, #tpu.memory_space<semaphore_mem>>) src(%dma_wait3A_55 : memref<20480x128xf32, #tpu.memory_space<hbm>>) dst(%arg9 : memref<128x128xf32, #tpu.memory_space<vmem>>)
        "tpu.region"() ({
          %run_scoped3A = tpu.sem_alloc : memref<!tpu.dma_semaphore, #tpu.memory_space<semaphore_mem>>
          %dma_start3A_69 = arith.constant 0 : i32
          %dma_start3A_70 = tpu.memref_slice %arg8[%add3A_41, %dma_start3A_69] : memref<40x128xi32, #tpu.memory_space<vmem>> -> memref<1x128xi32, #tpu.memory_space<vmem>>
          %dma_start3A_71 = tpu.memref_squeeze %dma_start3A_70 : memref<1x128xi32, #tpu.memory_space<vmem>> -> memref<128xi32, #tpu.memory_space<vmem>>
          %dma_start3A_72 = arith.constant 0 : i32
          %dma_start3A_73 = arith.constant 0 : i32
          %dma_start3A_74 = tpu.memref_slice %arg11[%dma_start3A_72, %dma_start3A_73] : memref<10240x128xf32, #tpu.memory_space<vmem_shared>> -> memref<10240x128xf32, #tpu.memory_space<vmem_shared>>
          tpu.enqueue_indirect_dma source(%arg9 : memref<128x128xf32, #tpu.memory_space<vmem>>) target(%dma_start3A_74 : memref<10240x128xf32, #tpu.memory_space<vmem_shared>>) offsets(%dma_start3A_71 : memref<128xi32, #tpu.memory_space<vmem>>) semaphore(%run_scoped3A : memref<!tpu.dma_semaphore, #tpu.memory_space<semaphore_mem>>) {add = true}
          %dma_wait3A_75 = arith.constant 0 : i32
          %dma_wait3A_76 = tpu.memref_slice %arg8[%add3A_41, %dma_wait3A_75] : memref<40x128xi32, #tpu.memory_space<vmem>> -> memref<1x128xi32, #tpu.memory_space<vmem>>
          %dma_wait3A_77 = tpu.memref_squeeze %dma_wait3A_76 : memref<1x128xi32, #tpu.memory_space<vmem>> -> memref<128xi32, #tpu.memory_space<vmem>>
          %dma_wait3A_78 = arith.constant 0 : i32
          %dma_wait3A_79 = arith.constant 0 : i32
          %dma_wait3A_80 = tpu.memref_slice %arg11[%dma_wait3A_78, %dma_wait3A_79] : memref<10240x128xf32, #tpu.memory_space<vmem_shared>> -> memref<10240x128xf32, #tpu.memory_space<vmem_shared>>
          tpu.wait_indirect_dma semaphore(%run_scoped3A : memref<!tpu.dma_semaphore, #tpu.memory_space<semaphore_mem>>) src(%arg9 : memref<128x128xf32, #tpu.memory_space<vmem>>) dst(%dma_wait3A_80 : memref<10240x128xf32, #tpu.memory_space<vmem_shared>>)
          tpu.yield
        }) : () -> ()
        %add3A_56 = arith.constant 2 : i32
        %add3A_57 = arith.addi %add3A_41, %add3A_56 : i32
        %lt3A = arith.constant 40 : i32
        %lt3A_58 = arith.cmpi slt, %add3A_57, %lt3A : i32
        %convert_element_type3A = arith.extui %lt3A_58 : i1 to i32
        %cond3A = arith.constant 0 : i32
        %cond3A_59 = arith.cmpi ne, %convert_element_type3A, %cond3A : i32
        scf.if %cond3A_59 {
          %add3A_69 = arith.constant 2 : i32
          %add3A_70 = arith.addi %add3A_41, %add3A_69 : i32
          %dma_start3A_71 = arith.constant 0 : i32
          %dma_start3A_72 = tpu.memref_slice %arg7[%add3A_70, %dma_start3A_71] : memref<40x128xi32, #tpu.memory_space<vmem>> -> memref<1x128xi32, #tpu.memory_space<vmem>>
          %dma_start3A_73 = tpu.memref_squeeze %dma_start3A_72 : memref<1x128xi32, #tpu.memory_space<vmem>> -> memref<128xi32, #tpu.memory_space<vmem>>
          %dma_start3A_74 = arith.constant 0 : i32
          %dma_start3A_75 = arith.constant 0 : i32
          %dma_start3A_76 = tpu.memref_slice %arg2[%dma_start3A_74, %dma_start3A_75] : memref<20480x128xf32, #tpu.memory_space<hbm>> -> memref<20480x128xf32, #tpu.memory_space<hbm>>
          tpu.enqueue_indirect_dma source(%dma_start3A_76 : memref<20480x128xf32, #tpu.memory_space<hbm>>) target(%arg9 : memref<128x128xf32, #tpu.memory_space<vmem>>) offsets(%dma_start3A_73 : memref<128xi32, #tpu.memory_space<vmem>>) semaphore(%arg12 : memref<!tpu.dma_semaphore, #tpu.memory_space<semaphore_mem>>)
        } else {
        }
        %dma_wait3A_60 = arith.constant 0 : i32
        %dma_wait3A_61 = arith.constant 0 : i32
        %dma_wait3A_62 = tpu.memref_slice %arg7[%dma_wait3A_60, %dma_wait3A_61] : memref<40x128xi32, #tpu.memory_space<vmem>> -> memref<1x128xi32, #tpu.memory_space<vmem>>
        %dma_wait3A_63 = tpu.memref_squeeze %dma_wait3A_62 : memref<1x128xi32, #tpu.memory_space<vmem>> -> memref<128xi32, #tpu.memory_space<vmem>>
        %dma_wait3A_64 = arith.constant 0 : i32
        %dma_wait3A_65 = arith.constant 0 : i32
        %dma_wait3A_66 = tpu.memref_slice %arg2[%dma_wait3A_64, %dma_wait3A_65] : memref<20480x128xf32, #tpu.memory_space<hbm>> -> memref<20480x128xf32, #tpu.memory_space<hbm>>
        tpu.wait_indirect_dma semaphore(%arg13 : memref<!tpu.dma_semaphore, #tpu.memory_space<semaphore_mem>>) src(%dma_wait3A_66 : memref<20480x128xf32, #tpu.memory_space<hbm>>) dst(%arg10 : memref<128x128xf32, #tpu.memory_space<vmem>>)
        %add3A_67 = arith.constant 1 : i32
        %add3A_68 = arith.addi %add3A_41, %add3A_67 : i32
        "tpu.region"() ({
          %run_scoped3A = tpu.sem_alloc : memref<!tpu.dma_semaphore, #tpu.memory_space<semaphore_mem>>
          %dma_start3A_69 = arith.constant 0 : i32
          %dma_start3A_70 = tpu.memref_slice %arg8[%add3A_68, %dma_start3A_69] : memref<40x128xi32, #tpu.memory_space<vmem>> -> memref<1x128xi32, #tpu.memory_space<vmem>>
          %dma_start3A_71 = tpu.memref_squeeze %dma_start3A_70 : memref<1x128xi32, #tpu.memory_space<vmem>> -> memref<128xi32, #tpu.memory_space<vmem>>
          %dma_start3A_72 = arith.constant 0 : i32
          %dma_start3A_73 = arith.constant 0 : i32
          %dma_start3A_74 = tpu.memref_slice %arg11[%dma_start3A_72, %dma_start3A_73] : memref<10240x128xf32, #tpu.memory_space<vmem_shared>> -> memref<10240x128xf32, #tpu.memory_space<vmem_shared>>
          tpu.enqueue_indirect_dma source(%arg10 : memref<128x128xf32, #tpu.memory_space<vmem>>) target(%dma_start3A_74 : memref<10240x128xf32, #tpu.memory_space<vmem_shared>>) offsets(%dma_start3A_71 : memref<128xi32, #tpu.memory_space<vmem>>) semaphore(%run_scoped3A : memref<!tpu.dma_semaphore, #tpu.memory_space<semaphore_mem>>) {add = true}
          %dma_wait3A_75 = arith.constant 0 : i32
          %dma_wait3A_76 = tpu.memref_slice %arg8[%add3A_68, %dma_wait3A_75] : memref<40x128xi32, #tpu.memory_space<vmem>> -> memref<1x128xi32, #tpu.memory_space<vmem>>
          %dma_wait3A_77 = tpu.memref_squeeze %dma_wait3A_76 : memref<1x128xi32, #tpu.memory_space<vmem>> -> memref<128xi32, #tpu.memory_space<vmem>>
          %dma_wait3A_78 = arith.constant 0 : i32
          %dma_wait3A_79 = arith.constant 0 : i32
          %dma_wait3A_80 = tpu.memref_slice %arg11[%dma_wait3A_78, %dma_wait3A_79] : memref<10240x128xf32, #tpu.memory_space<vmem_shared>> -> memref<10240x128xf32, #tpu.memory_space<vmem_shared>>
          tpu.wait_indirect_dma semaphore(%run_scoped3A : memref<!tpu.dma_semaphore, #tpu.memory_space<semaphore_mem>>) src(%arg10 : memref<128x128xf32, #tpu.memory_space<vmem>>) dst(%dma_wait3A_80 : memref<10240x128xf32, #tpu.memory_space<vmem_shared>>)
          tpu.yield
        }) : () -> ()
      }
      %scan3A_36 = arith.constant 20 : i32
    }
    %scan3A_8 = arith.constant 2 : i32
    %barrier3A_9 = arith.constant 0 : index
    tpu.barrier barrier_id(%barrier3A_9)
    %mul3A_10 = arith.constant 640 : i32
    %mul3A_11 = arith.muli %arg1, %mul3A_10 : i32
    %mul3A_12 = arith.constant 10240 : i32
    %mul3A_13 = arith.muli %arg0, %mul3A_12 : i32
    %mul3A_14 = arith.constant 640 : i32
    %mul3A_15 = arith.muli %arg1, %mul3A_14 : i32
    %add3A_16 = arith.addi %mul3A_13, %mul3A_15 : i32
    "tpu.region"() ({
      %run_scoped3A = tpu.sem_alloc : memref<!tpu.dma_semaphore, #tpu.memory_space<semaphore_mem>>
      %dma_start3A = arith.constant 0 : i32
      %dma_start3A_17 = tpu.memref_slice %arg6[%add3A_16, %dma_start3A] : memref<20480x128xf32, #tpu.memory_space<hbm>> -> memref<640x128xf32, #tpu.memory_space<hbm>>
      %dma_start3A_18 = arith.constant 0 : i32
      %dma_start3A_19 = tpu.memref_slice %arg11[%mul3A_11, %dma_start3A_18] : memref<10240x128xf32, #tpu.memory_space<vmem_shared>> -> memref<640x128xf32, #tpu.memory_space<vmem_shared>>
      tpu.enqueue_dma source(%dma_start3A_19 : memref<640x128xf32, #tpu.memory_space<vmem_shared>>) target(%dma_start3A_17 : memref<640x128xf32, #tpu.memory_space<hbm>>) target_semaphore(%run_scoped3A : memref<!tpu.dma_semaphore, #tpu.memory_space<semaphore_mem>>)
      %dma_wait3A = arith.constant 0 : i32
      %dma_wait3A_20 = tpu.memref_slice %arg6[%add3A_16, %dma_wait3A] : memref<20480x128xf32, #tpu.memory_space<hbm>> -> memref<640x128xf32, #tpu.memory_space<hbm>>
      %dma_wait3A_21 = arith.constant 0 : i32
      %dma_wait3A_22 = tpu.memref_slice %arg11[%mul3A_11, %dma_wait3A_21] : memref<10240x128xf32, #tpu.memory_space<vmem_shared>> -> memref<640x128xf32, #tpu.memory_space<vmem_shared>>
      tpu.wait_dma2 semaphore(%run_scoped3A : memref<!tpu.dma_semaphore, #tpu.memory_space<semaphore_mem>>) src(%dma_wait3A_22 : memref<640x128xf32, #tpu.memory_space<vmem_shared>>) dst(%dma_wait3A_20 : memref<640x128xf32, #tpu.memory_space<hbm>>)
      tpu.yield
    }) : () -> ()
    return
  }
}

module attributes {stable_mosaic.version = 14 : i64} {
  func.func @_first_body(%arg0: i32, %arg1: memref<1024x256xf32, #tpu.memory_space<vmem>>, %arg2: memref<256x256xf32, #tpu.memory_space<vmem>>, %arg3: memref<1024x2xf32, #tpu.memory_space<vmem>>, %arg4: memref<2x1024x128xf32, #tpu.memory_space<vmem>>) attributes {dimension_semantics = [#tpu.dimension_semantics<arbitrary>], iteration_bounds = array<i64: 10>, scalar_prefetch = 0 : i64, scratch_operands = 0 : i64, tpu.core_type = #tpu.core_type<tc>, window_params = [{transform_indices = @transform_0, window_bounds = array<i64: 1024, 256>}, {pipeline_mode = #tpu.pipeline_mode<synchronous>, transform_indices = @transform_1, window_bounds = array<i64: 256, 256>}, {transform_indices = @transform_2, window_bounds = array<i64: 1024, 2>}, {transform_indices = @transform_3, window_bounds = array<i64: 2, 1024, 128>}]} {
    %get3A = arith.constant 0 : index
    %get3A_0 = arith.constant 0 : index
    %get3A_1 = vector.load %arg3[%get3A, %get3A_0] : memref<1024x2xf32, #tpu.memory_space<vmem>>, vector<1024x1xf32>
    %get3A_2 = arith.constant 0 : index
    %get3A_3 = arith.constant 1 : index
    %get3A_4 = vector.load %arg3[%get3A_2, %get3A_3] : memref<1024x2xf32, #tpu.memory_space<vmem>>, vector<1024x1xf32>
    %add3A = arith.addf %get3A_1, %get3A_4 : vector<1024x1xf32>
    %add3A_5 = arith.constant 1.000000e+00 : f32
    %add3A_6 = vector.broadcast %add3A_5 : f32 to vector<1024x1xf32>
    %add3A_7 = arith.addf %add3A, %add3A_6 : vector<1024x1xf32>
    %rsqrt3A = math.rsqrt %add3A_7 : vector<1024x1xf32>
    %get3A_8 = arith.constant 0 : index
    %get3A_9 = arith.constant 0 : index
    %get3A_10 = vector.load %arg1[%get3A_8, %get3A_9] : memref<1024x256xf32, #tpu.memory_space<vmem>>, vector<1024x256xf32>
    %get3A_11 = arith.constant 0 : index
    %get3A_12 = arith.constant 0 : index
    %get3A_13 = vector.load %arg2[%get3A_11, %get3A_12] : memref<256x256xf32, #tpu.memory_space<vmem>>, vector<256x256xf32>
    %dot_general3A = arith.constant dense<0.000000e+00> : vector<1024x256xf32>
    %dot_general3A_14 = tpu.matmul %get3A_10, %get3A_13, %dot_general3A {dimension_numbers = #tpu.dot_dimension_numbers<[1], [1], [0], [0], [0, 0, 1, 0], [], []>, transpose_lhs_hint = false} : vector<1024x256xf32>, vector<256x256xf32>, vector<1024x256xf32> -> vector<1024x256xf32>
    %mul3A = vector.broadcast %rsqrt3A : vector<1024x1xf32> to vector<1024x256xf32>
    %mul3A_15 = arith.mulf %mul3A, %dot_general3A_14 : vector<1024x256xf32>
    %slice3A = vector.extract_strided_slice %mul3A_15 {offsets = [0, 0], sizes = [1024, 128], strides = [1, 1]} : vector<1024x256xf32> to vector<1024x128xf32>
    %swap3A = arith.constant 0 : index
    %swap3A_16 = arith.constant 0 : index
    %swap3A_17 = arith.constant 0 : index
    %swap3A_18 = vector.load %arg4[%swap3A, %swap3A_16, %swap3A_17] : memref<2x1024x128xf32, #tpu.memory_space<vmem>>, vector<1x1024x128xf32>
    %swap3A_19 = vector.shape_cast %swap3A_18 : vector<1x1024x128xf32> to vector<1024x128xf32>
    %swap3A_20 = vector.shape_cast %slice3A : vector<1024x128xf32> to vector<1x1024x128xf32>
    tpu.vector_store %arg4[%swap3A, %swap3A_16, %swap3A_17], %swap3A_20 {strides = array<i32>} : memref<2x1024x128xf32, #tpu.memory_space<vmem>>, vector<1x1024x128xf32>,
    %slice3A_21 = vector.extract_strided_slice %mul3A_15 {offsets = [0, 128], sizes = [1024, 128], strides = [1, 1]} : vector<1024x256xf32> to vector<1024x128xf32>
    %swap3A_22 = arith.constant 1 : index
    %swap3A_23 = arith.constant 0 : index
    %swap3A_24 = arith.constant 0 : index
    %swap3A_25 = vector.load %arg4[%swap3A_22, %swap3A_23, %swap3A_24] : memref<2x1024x128xf32, #tpu.memory_space<vmem>>, vector<1x1024x128xf32>
    %swap3A_26 = vector.shape_cast %swap3A_25 : vector<1x1024x128xf32> to vector<1024x128xf32>
    %swap3A_27 = vector.shape_cast %slice3A_21 : vector<1024x128xf32> to vector<1x1024x128xf32>
    tpu.vector_store %arg4[%swap3A_22, %swap3A_23, %swap3A_24], %swap3A_27 {strides = array<i32>} : memref<2x1024x128xf32, #tpu.memory_space<vmem>>, vector<1x1024x128xf32>,
    return
  }
  func.func @transform_0(%arg0: i32) -> (i32, i32) {
    %c0_i32 = arith.constant 0 : i32
    %c0_i32_0 = arith.constant 0 : i32
    return %arg0, %c0_i32 : i32, i32
  }
  func.func @transform_1(%arg0: i32) -> (i32, i32) {
    %c0_i32 = arith.constant 0 : i32
    %c0_i32_0 = arith.constant 0 : i32
    %c0_i32_1 = arith.constant 0 : i32
    return %c0_i32, %c0_i32_0 : i32, i32
  }
  func.func @transform_2(%arg0: i32) -> (i32, i32) {
    %c0_i32 = arith.constant 0 : i32
    %c0_i32_0 = arith.constant 0 : i32
    return %arg0, %c0_i32 : i32, i32
  }
  func.func @transform_3(%arg0: i32) -> (i32, i32, i32) {
    %c0_i32 = arith.constant 0 : i32
    %c0_i32_0 = arith.constant 0 : i32
    %c0_i32_1 = arith.constant 0 : i32
    return %c0_i32, %arg0, %c0_i32_0 : i32, i32, i32
  }
}

module attributes {stable_mosaic.version = 14 : i64} {
  func.func @_mid_body(%arg0: i32, %arg1: memref<2x1024x128xf32, #tpu.memory_space<vmem>>, %arg2: memref<1024x2xf32, #tpu.memory_space<vmem>>, %arg3: memref<1x256xf32, #tpu.memory_space<vmem>>, %arg4: memref<1x256xf32, #tpu.memory_space<vmem>>, %arg5: memref<1x256xf32, #tpu.memory_space<vmem>>, %arg6: memref<128x256xf32, #tpu.memory_space<vmem>>, %arg7: memref<1024x128xf32, #tpu.memory_space<vmem>>) attributes {dimension_semantics = [#tpu.dimension_semantics<arbitrary>], iteration_bounds = array<i64: 10>, scalar_prefetch = 0 : i64, scratch_operands = 0 : i64, tpu.core_type = #tpu.core_type<tc>, window_params = [{transform_indices = @transform_0, window_bounds = array<i64: 2, 1024, 128>}, {transform_indices = @transform_1, window_bounds = array<i64: 1024, 2>}, {pipeline_mode = #tpu.pipeline_mode<synchronous>, transform_indices = @transform_2, window_bounds = array<i64: 1, 256>}, {pipeline_mode = #tpu.pipeline_mode<synchronous>, transform_indices = @transform_3, window_bounds = array<i64: 1, 256>}, {pipeline_mode = #tpu.pipeline_mode<synchronous>, transform_indices = @transform_4, window_bounds = array<i64: 1, 256>}, {pipeline_mode = #tpu.pipeline_mode<synchronous>, transform_indices = @transform_5, window_bounds = array<i64: 128, 256>}, {transform_indices = @transform_6, window_bounds = array<i64: 1024, 128>}]} {
    %get3A = arith.constant 0 : index
    %get3A_0 = arith.constant 0 : index
    %get3A_1 = vector.load %arg2[%get3A, %get3A_0] : memref<1024x2xf32, #tpu.memory_space<vmem>>, vector<1024x1xf32>
    %get3A_2 = arith.constant 0 : index
    %get3A_3 = arith.constant 1 : index
    %get3A_4 = vector.load %arg2[%get3A_2, %get3A_3] : memref<1024x2xf32, #tpu.memory_space<vmem>>, vector<1024x1xf32>
    %add3A = arith.addf %get3A_1, %get3A_4 : vector<1024x1xf32>
    %add3A_5 = arith.constant 1.000000e+00 : f32
    %add3A_6 = vector.broadcast %add3A_5 : f32 to vector<1024x1xf32>
    %add3A_7 = arith.addf %add3A, %add3A_6 : vector<1024x1xf32>
    %rsqrt3A = math.rsqrt %add3A_7 : vector<1024x1xf32>
    %get3A_8 = arith.constant 0 : index
    %get3A_9 = arith.constant 0 : index
    %get3A_10 = arith.constant 0 : index
    %get3A_11 = vector.load %arg1[%get3A_8, %get3A_9, %get3A_10] : memref<2x1024x128xf32, #tpu.memory_space<vmem>>, vector<1x1024x128xf32>
    %get3A_12 = vector.shape_cast %get3A_11 : vector<1x1024x128xf32> to vector<1024x128xf32>
    %get3A_13 = arith.constant 1 : index
    %get3A_14 = arith.constant 0 : index
    %get3A_15 = arith.constant 0 : index
    %get3A_16 = vector.load %arg1[%get3A_13, %get3A_14, %get3A_15] : memref<2x1024x128xf32, #tpu.memory_space<vmem>>, vector<1x1024x128xf32>
    %get3A_17 = vector.shape_cast %get3A_16 : vector<1x1024x128xf32> to vector<1024x128xf32>
    %concatenate3A = tpu.concatenate %get3A_12, %get3A_17 in 1 : vector<1024x128xf32>, vector<1024x128xf32> -> vector<1024x256xf32>
    %mul3A = vector.broadcast %rsqrt3A : vector<1024x1xf32> to vector<1024x256xf32>
    %mul3A_18 = arith.mulf %mul3A, %concatenate3A : vector<1024x256xf32>
    %get3A_19 = arith.constant 0 : index
    %get3A_20 = arith.constant 0 : index
    %get3A_21 = vector.load %arg3[%get3A_19, %get3A_20] : memref<1x256xf32, #tpu.memory_space<vmem>>, vector<1x256xf32>
    %add3A_22 = vector.broadcast %get3A_21 : vector<1x256xf32> to vector<1024x256xf32>
    %add3A_23 = arith.addf %mul3A_18, %add3A_22 : vector<1024x256xf32>
    %reduce_sum3A = arith.constant dense<0.000000e+00> : vector<1024xf32>
    %reduce_sum3A_24 = vector.multi_reduction <add>, %add3A_23, %reduce_sum3A [1] : vector<1024x256xf32> to vector<1024xf32>
    %broadcast_in_dim3A = vector.shape_cast %reduce_sum3A_24 : vector<1024xf32> to vector<1024x1xf32>
    %div3A = arith.constant 2.560000e+02 : f32
    %div3A_25 = vector.broadcast %div3A : f32 to vector<1024x1xf32>
    %div3A_26 = arith.divf %broadcast_in_dim3A, %div3A_25 : vector<1024x1xf32>
    %sub3A = vector.broadcast %div3A_26 : vector<1024x1xf32> to vector<1024x256xf32>
    %sub3A_27 = arith.subf %add3A_23, %sub3A : vector<1024x256xf32>
    %mul3A_28 = arith.mulf %sub3A_27, %sub3A_27 : vector<1024x256xf32>
    %reduce_sum3A_29 = arith.constant dense<0.000000e+00> : vector<1024xf32>
    %reduce_sum3A_30 = vector.multi_reduction <add>, %mul3A_28, %reduce_sum3A_29 [1] : vector<1024x256xf32> to vector<1024xf32>
    %broadcast_in_dim3A_31 = vector.shape_cast %reduce_sum3A_30 : vector<1024xf32> to vector<1024x1xf32>
    %div3A_32 = arith.constant 2.560000e+02 : f32
    %div3A_33 = vector.broadcast %div3A_32 : f32 to vector<1024x1xf32>
    %div3A_34 = arith.divf %broadcast_in_dim3A_31, %div3A_33 : vector<1024x1xf32>
    %add3A_35 = arith.constant 9.99999974E-6 : f32
    %add3A_36 = vector.broadcast %add3A_35 : f32 to vector<1024x1xf32>
    %add3A_37 = arith.addf %div3A_34, %add3A_36 : vector<1024x1xf32>
    %rsqrt3A_38 = math.rsqrt %add3A_37 : vector<1024x1xf32>
    %mul3A_39 = vector.broadcast %rsqrt3A_38 : vector<1024x1xf32> to vector<1024x256xf32>
    %mul3A_40 = arith.mulf %sub3A_27, %mul3A_39 : vector<1024x256xf32>
    %get3A_41 = arith.constant 0 : index
    %get3A_42 = arith.constant 0 : index
    %get3A_43 = vector.load %arg4[%get3A_41, %get3A_42] : memref<1x256xf32, #tpu.memory_space<vmem>>, vector<1x256xf32>
    %mul3A_44 = vector.broadcast %get3A_43 : vector<1x256xf32> to vector<1024x256xf32>
    %mul3A_45 = arith.mulf %mul3A_40, %mul3A_44 : vector<1024x256xf32>
    %get3A_46 = arith.constant 0 : index
    %get3A_47 = arith.constant 0 : index
    %get3A_48 = vector.load %arg5[%get3A_46, %get3A_47] : memref<1x256xf32, #tpu.memory_space<vmem>>, vector<1x256xf32>
    %add3A_49 = vector.broadcast %get3A_48 : vector<1x256xf32> to vector<1024x256xf32>
    %add3A_50 = arith.addf %mul3A_45, %add3A_49 : vector<1024x256xf32>
    %ge3A = arith.constant 0.000000e+00 : f32
    %ge3A_51 = vector.broadcast %ge3A : f32 to vector<1024x256xf32>
    %ge3A_52 = arith.cmpf oge, %add3A_50, %ge3A_51 : vector<1024x256xf32>
    %mul3A_53 = arith.constant 0.00999999977 : f32
    %mul3A_54 = vector.broadcast %mul3A_53 : f32 to vector<1024x256xf32>
    %mul3A_55 = arith.mulf %mul3A_54, %add3A_50 : vector<1024x256xf32>
    %select_n3A = arith.select %ge3A_52, %add3A_50, %mul3A_55 : vector<1024x256xi1>, vector<1024x256xf32>
    %get3A_56 = arith.constant 0 : index
    %get3A_57 = arith.constant 0 : index
    %get3A_58 = vector.load %arg6[%get3A_56, %get3A_57] : memref<128x256xf32, #tpu.memory_space<vmem>>, vector<128x256xf32>
    %dot_general3A = arith.constant dense<0.000000e+00> : vector<1024x128xf32>
    %dot_general3A_59 = tpu.matmul %select_n3A, %get3A_58, %dot_general3A {dimension_numbers = #tpu.dot_dimension_numbers<[1], [1], [0], [0], [0, 0, 1, 0], [], []>, transpose_lhs_hint = false} : vector<1024x256xf32>, vector<128x256xf32>, vector<1024x128xf32> -> vector<1024x128xf32>
    %mul3A_60 = vector.broadcast %rsqrt3A : vector<1024x1xf32> to vector<1024x128xf32>
    %mul3A_61 = arith.mulf %mul3A_60, %dot_general3A_59 : vector<1024x128xf32>
    %swap3A = arith.constant 0 : index
    %swap3A_62 = arith.constant 0 : index
    %swap3A_63 = vector.load %arg7[%swap3A, %swap3A_62] : memref<1024x128xf32, #tpu.memory_space<vmem>>, vector<1024x128xf32>
    tpu.vector_store %arg7[%swap3A, %swap3A_62], %mul3A_61 {strides = array<i32>} : memref<1024x128xf32, #tpu.memory_space<vmem>>, vector<1024x128xf32>,
    return
  }
  func.func @transform_0(%arg0: i32) -> (i32, i32, i32) {
    %c0_i32 = arith.constant 0 : i32
    %c0_i32_0 = arith.constant 0 : i32
    %c0_i32_1 = arith.constant 0 : i32
    return %c0_i32, %arg0, %c0_i32_0 : i32, i32, i32
  }
  func.func @transform_1(%arg0: i32) -> (i32, i32) {
    %c0_i32 = arith.constant 0 : i32
    %c0_i32_0 = arith.constant 0 : i32
    return %arg0, %c0_i32 : i32, i32
  }
  func.func @transform_2(%arg0: i32) -> (i32, i32) {
    %c0_i32 = arith.constant 0 : i32
    %c0_i32_0 = arith.constant 0 : i32
    %c0_i32_1 = arith.constant 0 : i32
    return %c0_i32, %c0_i32_0 : i32, i32
  }
  func.func @transform_3(%arg0: i32) -> (i32, i32) {
    %c0_i32 = arith.constant 0 : i32
    %c0_i32_0 = arith.constant 0 : i32
    %c0_i32_1 = arith.constant 0 : i32
    return %c0_i32, %c0_i32_0 : i32, i32
  }
  func.func @transform_4(%arg0: i32) -> (i32, i32) {
    %c0_i32 = arith.constant 0 : i32
    %c0_i32_0 = arith.constant 0 : i32
    %c0_i32_1 = arith.constant 0 : i32
    return %c0_i32, %c0_i32_0 : i32, i32
  }
  func.func @transform_5(%arg0: i32) -> (i32, i32) {
    %c0_i32 = arith.constant 0 : i32
    %c0_i32_0 = arith.constant 0 : i32
    %c0_i32_1 = arith.constant 0 : i32
    return %c0_i32, %c0_i32_0 : i32, i32
  }
  func.func @transform_6(%arg0: i32) -> (i32, i32) {
    %c0_i32 = arith.constant 0 : i32
    %c0_i32_0 = arith.constant 0 : i32
    return %arg0, %c0_i32 : i32, i32
  }
}

module attributes {stable_mosaic.version = 14 : i64} {
  func.func @_final_body(%arg0: i32, %arg1: memref<2x1024x128xf32, #tpu.memory_space<vmem>>, %arg2: memref<1024x128xf32, #tpu.memory_space<vmem>>, %arg3: memref<1024x2xf32, #tpu.memory_space<vmem>>, %arg4: memref<1x128xf32, #tpu.memory_space<vmem>>, %arg5: memref<1x128xf32, #tpu.memory_space<vmem>>, %arg6: memref<1x128xf32, #tpu.memory_space<vmem>>, %arg7: memref<1024x1xi32, #tpu.memory_space<vmem>>, %arg8: memref<1x128xf32, #tpu.memory_space<vmem>>, %arg9: memref<1x1xf32, #tpu.memory_space<vmem>>, %arg10: memref<128x1xf32, #tpu.memory_space<vmem>>, %arg11: memref<128x128xf32, #tpu.memory_space<vmem>>, %arg12: memref<128x1xf32, #tpu.memory_space<vmem>>) attributes {dimension_semantics = [#tpu.dimension_semantics<arbitrary>], iteration_bounds = array<i64: 10>, scalar_prefetch = 0 : i64, scratch_operands = 2 : i64, tpu.core_type = #tpu.core_type<tc>, window_params = [{transform_indices = @transform_0, window_bounds = array<i64: 2, 1024, 128>}, {transform_indices = @transform_1, window_bounds = array<i64: 1024, 128>}, {transform_indices = @transform_2, window_bounds = array<i64: 1024, 2>}, {pipeline_mode = #tpu.pipeline_mode<synchronous>, transform_indices = @transform_3, window_bounds = array<i64: 1, 128>}, {pipeline_mode = #tpu.pipeline_mode<synchronous>, transform_indices = @transform_4, window_bounds = array<i64: 1, 128>}, {pipeline_mode = #tpu.pipeline_mode<synchronous>, transform_indices = @transform_5, window_bounds = array<i64: 1, 128>}, {transform_indices = @transform_6, window_bounds = array<i64: 1024, 1>}, {pipeline_mode = #tpu.pipeline_mode<synchronous>, transform_indices = @transform_7, window_bounds = array<i64: 1, 128>}, {pipeline_mode = #tpu.pipeline_mode<synchronous>, transform_indices = @transform_8, window_bounds = array<i64: 1, 1>}, {pipeline_mode = #tpu.pipeline_mode<synchronous>, transform_indices = @transform_9, window_bounds = array<i64: 128, 1>}]} {
    %eq3A = arith.constant 0 : i32
    %eq3A_0 = arith.cmpi eq, %arg0, %eq3A : i32
    %convert_element_type3A = arith.extui %eq3A_0 : i1 to i32
    %cond3A = arith.constant 0 : i32
    %cond3A_1 = arith.cmpi ne, %convert_element_type3A, %cond3A : i32
    scf.if %cond3A_1 {
      %broadcast_in_dim3A_93 = arith.constant 0.000000e+00 : f32
      %broadcast_in_dim3A_94 = vector.broadcast %broadcast_in_dim3A_93 : f32 to vector<128x128xf32>
      %swap3A_95 = arith.constant 0 : index
      %swap3A_96 = arith.constant 0 : index
      %swap3A_97 = vector.load %arg11[%swap3A_95, %swap3A_96] : memref<128x128xf32, #tpu.memory_space<vmem>>, vector<128x128xf32>
      tpu.vector_store %arg11[%swap3A_95, %swap3A_96], %broadcast_in_dim3A_94 {strides = array<i32>} : memref<128x128xf32, #tpu.memory_space<vmem>>, vector<128x128xf32>,
      %broadcast_in_dim3A_98 = arith.constant 0.000000e+00 : f32
      %broadcast_in_dim3A_99 = vector.broadcast %broadcast_in_dim3A_98 : f32 to vector<128x1xf32>
      %swap3A_100 = arith.constant 0 : index
      %swap3A_101 = arith.constant 0 : index
      %swap3A_102 = vector.load %arg12[%swap3A_100, %swap3A_101] : memref<128x1xf32, #tpu.memory_space<vmem>>, vector<128x1xf32>
      tpu.vector_store %arg12[%swap3A_100, %swap3A_101], %broadcast_in_dim3A_99 {strides = array<i32>} : memref<128x1xf32, #tpu.memory_space<vmem>>, vector<128x1xf32>,
    } else {
    }
    %get3A = arith.constant 0 : index
    %get3A_2 = arith.constant 0 : index
    %get3A_3 = vector.load %arg3[%get3A, %get3A_2] : memref<1024x2xf32, #tpu.memory_space<vmem>>, vector<1024x1xf32>
    %get3A_4 = arith.constant 0 : index
    %get3A_5 = arith.constant 1 : index
    %get3A_6 = vector.load %arg3[%get3A_4, %get3A_5] : memref<1024x2xf32, #tpu.memory_space<vmem>>, vector<1024x1xf32>
    %add3A = arith.addf %get3A_3, %get3A_6 : vector<1024x1xf32>
    %add3A_7 = arith.constant 1.000000e+00 : f32
    %add3A_8 = vector.broadcast %add3A_7 : f32 to vector<1024x1xf32>
    %add3A_9 = arith.addf %add3A, %add3A_8 : vector<1024x1xf32>
    %rsqrt3A = math.rsqrt %add3A_9 : vector<1024x1xf32>
    %get3A_10 = arith.constant 0 : index
    %get3A_11 = arith.constant 0 : index
    %get3A_12 = arith.constant 0 : index
    %get3A_13 = vector.load %arg1[%get3A_10, %get3A_11, %get3A_12] : memref<2x1024x128xf32, #tpu.memory_space<vmem>>, vector<1x1024x128xf32>
    %get3A_14 = vector.shape_cast %get3A_13 : vector<1x1024x128xf32> to vector<1024x128xf32>
    %get3A_15 = arith.constant 1 : index
    %get3A_16 = arith.constant 0 : index
    %get3A_17 = arith.constant 0 : index
    %get3A_18 = vector.load %arg1[%get3A_15, %get3A_16, %get3A_17] : memref<2x1024x128xf32, #tpu.memory_space<vmem>>, vector<1x1024x128xf32>
    %get3A_19 = vector.shape_cast %get3A_18 : vector<1x1024x128xf32> to vector<1024x128xf32>
    %add3A_20 = arith.addf %get3A_14, %get3A_19 : vector<1024x128xf32>
    %get3A_21 = arith.constant 0 : index
    %get3A_22 = arith.constant 0 : index
    %get3A_23 = vector.load %arg2[%get3A_21, %get3A_22] : memref<1024x128xf32, #tpu.memory_space<vmem>>, vector<1024x128xf32>
    %add3A_24 = arith.addf %add3A_20, %get3A_23 : vector<1024x128xf32>
    %mul3A = vector.broadcast %rsqrt3A : vector<1024x1xf32> to vector<1024x128xf32>
    %mul3A_25 = arith.mulf %mul3A, %add3A_24 : vector<1024x128xf32>
    %get3A_26 = arith.constant 0 : index
    %get3A_27 = arith.constant 0 : index
    %get3A_28 = vector.load %arg4[%get3A_26, %get3A_27] : memref<1x128xf32, #tpu.memory_space<vmem>>, vector<1x128xf32>
    %add3A_29 = vector.broadcast %get3A_28 : vector<1x128xf32> to vector<1024x128xf32>
    %add3A_30 = arith.addf %mul3A_25, %add3A_29 : vector<1024x128xf32>
    %reduce_sum3A = arith.constant dense<0.000000e+00> : vector<1024xf32>
    %reduce_sum3A_31 = vector.multi_reduction <add>, %add3A_30, %reduce_sum3A [1] : vector<1024x128xf32> to vector<1024xf32>
    %broadcast_in_dim3A = vector.shape_cast %reduce_sum3A_31 : vector<1024xf32> to vector<1024x1xf32>
    %div3A = arith.constant 1.280000e+02 : f32
    %div3A_32 = vector.broadcast %div3A : f32 to vector<1024x1xf32>
    %div3A_33 = arith.divf %broadcast_in_dim3A, %div3A_32 : vector<1024x1xf32>
    %sub3A = vector.broadcast %div3A_33 : vector<1024x1xf32> to vector<1024x128xf32>
    %sub3A_34 = arith.subf %add3A_30, %sub3A : vector<1024x128xf32>
    %mul3A_35 = arith.mulf %sub3A_34, %sub3A_34 : vector<1024x128xf32>
    %reduce_sum3A_36 = arith.constant dense<0.000000e+00> : vector<1024xf32>
    %reduce_sum3A_37 = vector.multi_reduction <add>, %mul3A_35, %reduce_sum3A_36 [1] : vector<1024x128xf32> to vector<1024xf32>
    %broadcast_in_dim3A_38 = vector.shape_cast %reduce_sum3A_37 : vector<1024xf32> to vector<1024x1xf32>
    %div3A_39 = arith.constant 1.280000e+02 : f32
    %div3A_40 = vector.broadcast %div3A_39 : f32 to vector<1024x1xf32>
    %div3A_41 = arith.divf %broadcast_in_dim3A_38, %div3A_40 : vector<1024x1xf32>
    %add3A_42 = arith.constant 9.99999974E-6 : f32
    %add3A_43 = vector.broadcast %add3A_42 : f32 to vector<1024x1xf32>
    %add3A_44 = arith.addf %div3A_41, %add3A_43 : vector<1024x1xf32>
    %rsqrt3A_45 = math.rsqrt %add3A_44 : vector<1024x1xf32>
    %mul3A_46 = vector.broadcast %rsqrt3A_45 : vector<1024x1xf32> to vector<1024x128xf32>
    %mul3A_47 = arith.mulf %sub3A_34, %mul3A_46 : vector<1024x128xf32>
    %get3A_48 = arith.constant 0 : index
    %get3A_49 = arith.constant 0 : index
    %get3A_50 = vector.load %arg5[%get3A_48, %get3A_49] : memref<1x128xf32, #tpu.memory_space<vmem>>, vector<1x128xf32>
    %mul3A_51 = vector.broadcast %get3A_50 : vector<1x128xf32> to vector<1024x128xf32>
    %mul3A_52 = arith.mulf %mul3A_47, %mul3A_51 : vector<1024x128xf32>
    %get3A_53 = arith.constant 0 : index
    %get3A_54 = arith.constant 0 : index
    %get3A_55 = vector.load %arg6[%get3A_53, %get3A_54] : memref<1x128xf32, #tpu.memory_space<vmem>>, vector<1x128xf32>
    %add3A_56 = vector.broadcast %get3A_55 : vector<1x128xf32> to vector<1024x128xf32>
    %add3A_57 = arith.addf %mul3A_52, %add3A_56 : vector<1024x128xf32>
    %ge3A = arith.constant 0.000000e+00 : f32
    %ge3A_58 = vector.broadcast %ge3A : f32 to vector<1024x128xf32>
    %ge3A_59 = arith.cmpf oge, %add3A_57, %ge3A_58 : vector<1024x128xf32>
    %mul3A_60 = arith.constant 0.00999999977 : f32
    %mul3A_61 = vector.broadcast %mul3A_60 : f32 to vector<1024x128xf32>
    %mul3A_62 = arith.mulf %mul3A_61, %add3A_57 : vector<1024x128xf32>
    %select_n3A = arith.select %ge3A_59, %add3A_57, %mul3A_62 : vector<1024x128xi1>, vector<1024x128xf32>
    %iota3A = tpu.iota {dimensions = array<i32: 1>} : vector<1024x128xi32>
    %get3A_63 = arith.constant 0 : index
    %get3A_64 = arith.constant 0 : index
    %get3A_65 = vector.load %arg7[%get3A_63, %get3A_64] : memref<1024x1xi32, #tpu.memory_space<vmem>>, vector<1024x1xi32>
    %eq3A_66 = vector.broadcast %get3A_65 : vector<1024x1xi32> to vector<1024x128xi32>
    %eq3A_67 = arith.cmpi eq, %eq3A_66, %iota3A : vector<1024x128xi32>
    %convert_element_type3A_68 = arith.extui %eq3A_67 : vector<1024x128xi1> to vector<1024x128xi32>
    %convert_element_type3A_69 = arith.sitofp %convert_element_type3A_68 : vector<1024x128xi32> to vector<1024x128xf32>
    %get3A_70 = arith.constant 0 : index
    %get3A_71 = arith.constant 0 : index
    %get3A_72 = vector.load %arg11[%get3A_70, %get3A_71] : memref<128x128xf32, #tpu.memory_space<vmem>>, vector<128x128xf32>
    %dot_general3A = arith.constant dense<0.000000e+00> : vector<128x128xf32>
    %dot_general3A_73 = tpu.matmul %convert_element_type3A_69, %select_n3A, %dot_general3A {dimension_numbers = #tpu.dot_dimension_numbers<[0], [0], [1], [1], [0, 1, 1, 1], [], []>, precision = #tpu.contract_precision<fp32>, transpose_lhs_hint = false} : vector<1024x128xf32>, vector<1024x128xf32>, vector<128x128xf32> -> vector<128x128xf32>
    %add3A_74 = arith.addf %get3A_72, %dot_general3A_73 : vector<128x128xf32>
    %swap3A = arith.constant 0 : index
    %swap3A_75 = arith.constant 0 : index
    %swap3A_76 = vector.load %arg11[%swap3A, %swap3A_75] : memref<128x128xf32, #tpu.memory_space<vmem>>, vector<128x128xf32>
    tpu.vector_store %arg11[%swap3A, %swap3A_75], %add3A_74 {strides = array<i32>} : memref<128x128xf32, #tpu.memory_space<vmem>>, vector<128x128xf32>,
    %get3A_77 = arith.constant 0 : index
    %get3A_78 = arith.constant 0 : index
    %get3A_79 = vector.load %arg12[%get3A_77, %get3A_78] : memref<128x1xf32, #tpu.memory_space<vmem>>, vector<128x1xf32>
    %broadcast_in_dim3A_80 = arith.constant 1.000000e+00 : f32
    %broadcast_in_dim3A_81 = vector.broadcast %broadcast_in_dim3A_80 : f32 to vector<1024x1xf32>
    %dot_general3A_82 = arith.constant dense<0.000000e+00> : vector<128x1xf32>
    %dot_general3A_83 = tpu.matmul %convert_element_type3A_69, %broadcast_in_dim3A_81, %dot_general3A_82 {dimension_numbers = #tpu.dot_dimension_numbers<[0], [0], [1], [1], [0, 1, 1, 1], [], []>, precision = #tpu.contract_precision<fp32>, transpose_lhs_hint = false} : vector<1024x128xf32>, vector<1024x1xf32>, vector<128x1xf32> -> vector<128x1xf32>
    %add3A_84 = arith.addf %get3A_79, %dot_general3A_83 : vector<128x1xf32>
    %swap3A_85 = arith.constant 0 : index
    %swap3A_86 = arith.constant 0 : index
    %swap3A_87 = vector.load %arg12[%swap3A_85, %swap3A_86] : memref<128x1xf32, #tpu.memory_space<vmem>>, vector<128x1xf32>
    tpu.vector_store %arg12[%swap3A_85, %swap3A_86], %add3A_84 {strides = array<i32>} : memref<128x1xf32, #tpu.memory_space<vmem>>, vector<128x1xf32>,
    %eq3A_88 = arith.constant 9 : i32
    %eq3A_89 = arith.cmpi eq, %arg0, %eq3A_88 : i32
    %convert_element_type3A_90 = arith.extui %eq3A_89 : i1 to i32
    %cond3A_91 = arith.constant 0 : i32
    %cond3A_92 = arith.cmpi ne, %convert_element_type3A_90, %cond3A_91 : i32
    scf.if %cond3A_92 {
      %get3A_93 = arith.constant 0 : index
      %get3A_94 = arith.constant 0 : index
      %get3A_95 = vector.load %arg11[%get3A_93, %get3A_94] : memref<128x128xf32, #tpu.memory_space<vmem>>, vector<128x128xf32>
      %get3A_96 = arith.constant 0 : index
      %get3A_97 = arith.constant 0 : index
      %get3A_98 = vector.load %arg12[%get3A_96, %get3A_97] : memref<128x1xf32, #tpu.memory_space<vmem>>, vector<128x1xf32>
      %max3A = arith.constant 1.000000e+00 : f32
      %max3A_99 = vector.broadcast %max3A : f32 to vector<128x1xf32>
      %max3A_100 = arith.maximumf %get3A_98, %max3A_99 : vector<128x1xf32>
      %div3A_101 = vector.broadcast %max3A_100 : vector<128x1xf32> to vector<128x128xf32>
      %div3A_102 = arith.divf %get3A_95, %div3A_101 : vector<128x128xf32>
      %convert_element_type3A_103 = arith.truncf %div3A_102 : vector<128x128xf32> to vector<128x128xbf16>
      %convert_element_type3A_104 = arith.extf %convert_element_type3A_103 : vector<128x128xbf16> to vector<128x128xf32>
      %get3A_105 = arith.constant 0 : index
      %get3A_106 = arith.constant 0 : index
      %get3A_107 = vector.load %arg8[%get3A_105, %get3A_106] : memref<1x128xf32, #tpu.memory_space<vmem>>, vector<1x128xf32>
      %convert_element_type3A_108 = arith.truncf %get3A_107 : vector<1x128xf32> to vector<1x128xbf16>
      %convert_element_type3A_109 = arith.extf %convert_element_type3A_108 : vector<1x128xbf16> to vector<1x128xf32>
      %mul3A_110 = vector.broadcast %convert_element_type3A_109 : vector<1x128xf32> to vector<128x128xf32>
      %mul3A_111 = arith.mulf %convert_element_type3A_104, %mul3A_110 : vector<128x128xf32>
      %reduce_sum3A_112 = arith.constant dense<0.000000e+00> : vector<128xf32>
      %reduce_sum3A_113 = vector.multi_reduction <add>, %mul3A_111, %reduce_sum3A_112 [1] : vector<128x128xf32> to vector<128xf32>
      %broadcast_in_dim3A_114 = vector.shape_cast %reduce_sum3A_113 : vector<128xf32> to vector<128x1xf32>
      %get3A_115 = arith.constant 0 : index
      %get3A_116 = arith.constant 0 : index
      %get3A_117 = vector.load %arg9[%get3A_115, %get3A_116] : memref<1x1xf32, #tpu.memory_space<vmem>>, vector<1x1xf32>
      %get3A_118 = vector.extract %get3A_117[0, 0] : f32 from vector<1x1xf32>
      %add3A_119 = vector.broadcast %get3A_118 : f32 to vector<128x1xf32>
      %add3A_120 = arith.addf %broadcast_in_dim3A_114, %add3A_119 : vector<128x1xf32>
      %swap3A_121 = arith.constant 0 : index
      %swap3A_122 = arith.constant 0 : index
      %swap3A_123 = vector.load %arg10[%swap3A_121, %swap3A_122] : memref<128x1xf32, #tpu.memory_space<vmem>>, vector<128x1xf32>
      tpu.vector_store %arg10[%swap3A_121, %swap3A_122], %add3A_120 {strides = array<i32>} : memref<128x1xf32, #tpu.memory_space<vmem>>, vector<128x1xf32>,
    } else {
    }
    return
  }
  func.func @transform_0(%arg0: i32) -> (i32, i32, i32) {
    %c0_i32 = arith.constant 0 : i32
    %c0_i32_0 = arith.constant 0 : i32
    %c0_i32_1 = arith.constant 0 : i32
    return %c0_i32, %arg0, %c0_i32_0 : i32, i32, i32
  }
  func.func @transform_1(%arg0: i32) -> (i32, i32) {
    %c0_i32 = arith.constant 0 : i32
    %c0_i32_0 = arith.constant 0 : i32
    return %arg0, %c0_i32 : i32, i32
  }
  func.func @transform_2(%arg0: i32) -> (i32, i32) {
    %c0_i32 = arith.constant 0 : i32
    %c0_i32_0 = arith.constant 0 : i32
    return %arg0, %c0_i32 : i32, i32
  }
  func.func @transform_3(%arg0: i32) -> (i32, i32) {
    %c0_i32 = arith.constant 0 : i32
    %c0_i32_0 = arith.constant 0 : i32
    %c0_i32_1 = arith.constant 0 : i32
    return %c0_i32, %c0_i32_0 : i32, i32
  }
  func.func @transform_4(%arg0: i32) -> (i32, i32) {
    %c0_i32 = arith.constant 0 : i32
    %c0_i32_0 = arith.constant 0 : i32
    %c0_i32_1 = arith.constant 0 : i32
    return %c0_i32, %c0_i32_0 : i32, i32
  }
  func.func @transform_5(%arg0: i32) -> (i32, i32) {
    %c0_i32 = arith.constant 0 : i32
    %c0_i32_0 = arith.constant 0 : i32
    %c0_i32_1 = arith.constant 0 : i32
    return %c0_i32, %c0_i32_0 : i32, i32
  }
  func.func @transform_6(%arg0: i32) -> (i32, i32) {
    %c0_i32 = arith.constant 0 : i32
    %c0_i32_0 = arith.constant 0 : i32
    return %arg0, %c0_i32 : i32, i32
  }
  func.func @transform_7(%arg0: i32) -> (i32, i32) {
    %c0_i32 = arith.constant 0 : i32
    %c0_i32_0 = arith.constant 0 : i32
    %c0_i32_1 = arith.constant 0 : i32
    return %c0_i32, %c0_i32_0 : i32, i32
  }
  func.func @transform_8(%arg0: i32) -> (i32, i32) {
    %c0_i32 = arith.constant 0 : i32
    %c0_i32_0 = arith.constant 0 : i32
    %c0_i32_1 = arith.constant 0 : i32
    return %c0_i32, %c0_i32_0 : i32, i32
  }
  func.func @transform_9(%arg0: i32) -> (i32, i32) {
    %c0_i32 = arith.constant 0 : i32
    %c0_i32_0 = arith.constant 0 : i32
    %c0_i32_1 = arith.constant 0 : i32
    return %c0_i32, %c0_i32_0 : i32, i32
  }
}

</mosaic_0001>

<sc_bundles>
// kernel: kernel.11.cloned.1.call-start
scs
__scs_entry_jumppad:
0x0: {  	(pc) =	sbr.rel $0x88, $3  }
0x1: {  	(tag) =	ssettag $0x0;
	lr =	simm.s32 $0x1  }
0x2: {  	[smem:$0x3F94] =	sst lr;
	_ =	strace $0xD0000000  }
0x3: {  	_ = 	snop  }
0x4: {  	_ = 	snop  }
0x5: {  	_ = 	snop  }
0x6: {  	_ = 	snop  }
0x7: {  	_ = 	snop  }
__scs_overlays_trampoline_lowered:
0x8: {  	[smem:$0x3FA3] =	sst s0  }
0x9: {  	[smem:$0x3FA4] =	sst s1  }
0xa: {  	[smem:$0x3FA5] =	sst s2  }
0xb: {  	[smem:$0x3FA6] =	sst s3  }
0xc: {  	[smem:$0x3FA7] =	sst s4  }
0xd: {  	[smem:$0x3FA8] =	sst s5  }
0xe: {  	[smem:$0x3FA9] =	sst s6  }
0xf: {  	[smem:$0x3FAA] =	sst s7  }
0x10: {  	[smem:$0x3FAB] =	sst s8  }
0x11: {  	[smem:$0x3FAC] =	sst s9;
	s0 =	simm.s32 @!p0 $0x0  }
0x12: {  	s1 =	sld [smem:$0x3F92];
	s0 =	simm.s32 @p0 $0x1  }
0x13: {  	[smem:$0x3FAD] =	sst s0;
	s0 =	simm.s32 @!p1 $0x0  }
0x14: {  	s2 =	sld [smem:$0x3F91];
	s0 =	simm.s32 @p1 $0x1  }
0x15: {  	[smem:$0x3FAE] =	sst s0;
	s0 =	simm.s32 @!p2 $0x0  }
0x16: {  	s3 =	sld [smem:$0x3FDB];
	s0 =	simm.s32 @p2 $0x1  }
0x17: {  	s4 =	simm.s32 $0x1BF5;
	[smem:$0x3FB0] =	sst s0  }
0x18: {  	s0 =	sld [smem:$0x3F93];
	_ =	swait.ge [sflag:s4], $0x0  }
0x19: {  	s7 =	sld [smem:$0x3F94]  }
0x1a: {  	s8 =	sadd.s32 $0xFFFFE003, lr  }
0x1b: {  	s9 =	sadd.s32 $0xFFFFFEF7, lr;
	s5 =	simm.s32 $0xFFFFFFFF;
	p2 =	slt.u32 s8, $0xFFFFF086  }
0x1c: {  	p1 =	slt.u32 s9, $0xF7A;
	s5 =	simm.s32 @!p2 $0x0  }
0x1d: {  	s5 =	simm.s32 @p1 $0x1;
	p0 =	seq.s32 s7, s2  }
0x1e: {  	s7 =	smul.u32 @!p0 $0xF7A, s2;
	p2 =	seq.s32 @!p0 s5, $0x0  }
0x1f: {  	s9 =	smul.u32 $0xF7A, s1;
	s8 =	simm.s32 @!p0 $0x1BF5;
	p2 =	por !p2, p0  }
0x20: {  	[sflag:s8] =	ssyncset.s32 @!p0 $0xFFFFF086;
	s6 =	sadd.s32 @!p0 s3, s7;
	s7 =	simm.s32 @!p0 $0x108  }
0x21: {  	s3 =	sadd.s32 s3, s9;
	s6 =	sadd.s32 @!p0 $0x88, s6;
	s7 =	simm.s32 @p2 $0x1082  }
0x22: {  	[simem:s7], [sflag:s8] =	dma.local @!p0 [hbm:s6], $0xF7A  }
0x23: {  	s9 =	sor.u32 $0xD0000000, s2;
	s6 =	simm.s32 $0x108;
	_ =	swait.ge @!p0 [sflag:s8], $0x0  }
0x24: {  	s3 =	sadd.s32 $0x88, s3;
	s6 =	simm.s32 @!p1 $0x1082;
	[sflag:s4] =	ssyncset.s32 $0xFFFFF086  }
0x25: {  	[simem:s6], [sflag:s4] =	dma.local [hbm:s3], $0xF7A  }
0x26: {  	[smem:$0x3F94] =	sst s1;
	(tag) =	ssettag s2;
	_ =	strace s9  }
0x27: {  	s1 =	sld [smem:$0x3FA4]  }
0x28: {  	s2 =	sld [smem:$0x3FA5]  }
0x29: {  	s4 =	sld [smem:$0x3FA7]  }
0x2a: {  	p0 =	seq.s32 s5, $0x0;
	s5 =	sld [smem:$0x3FA8]  }
0x2b: {  	s6 =	sld [smem:$0x3FA9]  }
0x2c: {  	s7 =	sld [smem:$0x3FAA]  }
0x2d: {  	s3 =	simm.s32 $0x108;
	s8 =	sld [smem:$0x3FAB]  }
0x2e: {  	s3 =	simm.s32 @!p0 $0x1082;
	s9 =	sld [smem:$0x3FAC]  }
0x2f: {  	lr =	sadd.s32 s0, s3;
	s0 =	sld [smem:$0x3FA3]  }
0x30: {  	s3 =	sld [smem:$0x3FA6]  }
0x31: {  	[smem:$0x3FAF] =	sst s10  }
0x32: {  	s10 =	sld [smem:$0x3FAD];
	_ =	sdelay $0x3  }
0x33: {  	p0 =	seq.s32 s10, $0x1;
	s10 =	sld [smem:$0x3FAF];
	_ =	sdelay $0x3  }
0x34: {  	[smem:$0x3FAF] =	sst s10  }
0x35: {  	s10 =	sld [smem:$0x3FAE];
	_ =	sdelay $0x3  }
0x36: {  	p1 =	seq.s32 s10, $0x1;
	s10 =	sld [smem:$0x3FAF];
	_ =	sdelay $0x3  }
0x37: {  	[smem:$0x3FAF] =	sst s10  }
0x38: {  	s10 =	sld [smem:$0x3FB0]  }
0x39: {  	_ = 	snop;
	(pc) =	sbr.ind lr, $3  }
0x3a: {  	_ = 	snop  }
0x3b: {  	_ = 	snop  }
0x3c: {  	p2 =	seq.s32 s10, $0x1;
	s10 =	sld [smem:$0x3FAF]  }
0x3d: {  	_ =	shalt  }
0x3e: {  	_ =	shalt  }
0x3f: {  	_ =	shalt  }
0x40: {  	_ =	shalt  }
0x41: {  	_ =	shalt  }
0x42: {  	_ =	shalt  }
0x43: {  	_ =	shalt  }
0x44: {  	_ =	shalt  }
0x45: {  	_ =	shalt  }
0x46: {  	_ =	shalt  }
0x47: {  	_ =	shalt  }
0x48: {  	_ =	shalt  }
0x49: {  	_ =	shalt  }
0x4a: {  	_ =	shalt  }
0x4b: {  	_ =	shalt  }
0x4c: {  	_ =	shalt  }
0x4d: {  	_ =	shalt  }
0x4e: {  	_ =	shalt  }
0x4f: {  	_ =	shalt  }
0x50: {  	_ =	shalt  }
0x51: {  	_ =	shalt  }
0x52: {  	_ =	shalt  }
0x53: {  	_ =	shalt  }
0x54: {  	_ =	shalt  }
0x55: {  	_ =	shalt  }
0x56: {  	_ =	shalt  }
0x57: {  	_ =	shalt  }
0x58: {  	_ =	shalt  }
0x59: {  	_ =	shalt  }
0x5a: {  	_ =	shalt  }
0x5b: {  	_ =	shalt  }
0x5c: {  	_ =	shalt  }
0x5d: {  	_ =	shalt  }
0x5e: {  	_ =	shalt  }
0x5f: {  	_ =	shalt  }
0x60: {  	_ =	shalt  }
0x61: {  	_ =	shalt  }
0x62: {  	_ =	shalt  }
0x63: {  	_ =	shalt  }
0x64: {  	_ =	shalt  }
0x65: {  	_ =	shalt  }
0x66: {  	_ =	shalt  }
0x67: {  	_ =	shalt  }
0x68: {  	_ =	shalt  }
0x69: {  	_ =	shalt  }
0x6a: {  	_ =	shalt  }
0x6b: {  	_ =	shalt  }
0x6c: {  	_ =	shalt  }
0x6d: {  	_ =	shalt  }
0x6e: {  	_ =	shalt  }
0x6f: {  	_ =	shalt  }
0x70: {  	_ =	shalt  }
0x71: {  	_ =	shalt  }
0x72: {  	_ =	shalt  }
0x73: {  	_ =	shalt  }
0x74: {  	_ =	shalt  }
0x75: {  	_ =	shalt  }
0x76: {  	_ =	shalt  }
0x77: {  	_ =	shalt  }
0x78: {  	_ =	shalt  }
0x79: {  	_ =	shalt  }
0x7a: {  	_ =	shalt  }
0x7b: {  	_ =	shalt  }
0x7c: {  	_ =	shalt  }
0x7d: {  	_ =	shalt  }
0x7e: {  	_ =	shalt  }
0x7f: {  	_ =	shalt  }
0x80: {  	_ =	shalt  }
0x81: {  	_ =	shalt  }
0x82: {  	_ =	shalt  }
0x83: {  	_ =	shalt  }
0x84: {  	_ =	shalt  }
0x85: {  	_ =	shalt  }
0x86: {  	_ =	shalt  }
0x87: {  	_ =	shalt  }
.Lfunc_end0:
.L_simem_size_0:
called_computation.1_lowered:
.L_overlay_start_0:
0x88: {  	s2 =	sld [smem:$0x3FD9]  }
0x89: {  	s3 =	sld [smem:$0x3FFE];
	_ =	sdelay $0x1  }
0x8a: {  	s1 =	srdreg.scid  }
0x8b: {  	s0 =	sand.u32 $0x1, s1  }
0x8c: {  	s16 =	sshll.u32 s0, $0xA;
	s2 =	sadd.s32 s3, s2  }
0x8d: {  	s2 =	sadd.s32 s2, s16  }
0x8e: {  	[smem:$0x3FBB] =	sst s2  }
0x8f: {  	_ = 	snop  }
0x90: {  	(tm) =	ssettm $0x1  }
0x91: {  	s17 =	sld [smem:$0x3FFB];
	_ =	sdelay $0x3  }
0x92: {  	_ =	strace s17  }
0x93: {  	s2 =	sld [smem:$0x3FFC];
	_ =	sdelay $0x3  }
0x94: {  	_ =	strace s2  }
0x95: {  	s2 =	sld [smem:$0x3FFD];
	_ =	sdelay $0x3  }
0x96: {  	_ =	strace s2  }
0x97: {  	_ =	strace $0x8FFFFFFF  }
0x98: {  	s18 =	sld [smem:$0x3FDB];
	_ =	sdelay $0x1  }
0x99: {  	s19 =	simm.s32 $_scs_section_size  }
0x9a: {  	s4 =	simm.s32 $_size__tile_overlayer_lowered;
	s5 =	simm.s32 $_tile_overlayer_lowered  }
0x9b: {  	s22 =	simm.s32 $0x1BFF;
	s21 =	sshll.u32 s5, $0x1;
	s2 =	sadd.s32 s19, s18  }
0x9c: {  	s6 =	simm.s32 $0x0;
	s20 =	sshll.u32 s4, $0x1;
	s4 =	sadd.s32 s21, s2  }
0x9d: {  	[timem:s6], [sflag:s22] =	dma.local [hbm:s4], s20  }
0x9e: {  	_ =	swait.ge [sflag:s22], s20  }
0x9f: {  	s3 =	ssub.s32 $0x0, s20;
	[sflag:s22] =	ssyncset.done $0x0  }
0xa0: {  	[sflag:s22] =	ssyncadd.s32 s3;
	_ =	sdelay $0x1  }
0xa1: {  	s23 =	simm.s32 $0x1B8B  }
0xa2: {  	_ =	swait.ge [sflag:s23], $0x1  }
0xa3: {  	[sflag:s23] =	ssyncset.done $0x0  }
0xa4: {  	s25 =	simm.s32 $0x1B8E;
	s24 =	sld [smem:$0x3FFE];
	[sflag:s23] =	ssyncadd.s32 $0xFFFFFFFF  }
0xa5: {  	s26 =	simm.s32 $execute0_lowered;
	[smem:$0x3FD2] =	sst s25  }
0xa6: {  	s4 =	sshll.u32 s26, $0x1;
	_ =	strace $0x80000049;
	[dreg:$0x1] =	wrdreg $0xFFFFFFFF  }
0xa7: {  	s28 =	simm.s32 $_size_execute0_lowered;
	s2 =	sadd.s32 s2, s4;
	[dreg:$0x0] =	wrdreg $0x0  }
0xa8: {  	s4 =	sshll.u32 s28, $0x1;
	[dreg:$0x2] =	wrdreg s2  }
0xa9: {  	[dreg:$0x3] =	wrdreg s4  }
0xaa: {  	[dreg:$0x4] =	wrdreg $0xC0  }
0xab: {  	_ =	task [dreg:s6], $0x5FFFF  }
0xac: {  	[dreg:$0x1] =	wrdreg $0xFFFFFFFF  }
0xad: {  	[dreg:$0x0] =	wrdreg $0x60  }
0xae: {  	[dreg:$0x2] =	wrdreg s24  }
0xaf: {  	[dreg:$0x3] =	wrdreg $0xA8000  }
0xb0: {  	[dreg:$0x4] =	wrdreg $0x9  }
0xb1: {  	_ =	task.clear_ibuf [dreg:s6], $0x5FFFF;
	_ =	strace $0x90000049  }
0xb2: {  	s29 =	simm.s32 $0x9;
	_ =	strace $0x8000004B  }
0xb3: {  	_ =	swait.ge [sflag:s29], $0x1  }
0xb4: {  	[sflag:s29] =	ssyncadd.s32 $0xFFFFFFFF  }
0xb5: {  	_ =	strace $0x9000004B  }
0xb6: {  	_ =	sfence  }
0xb7: {  	s30 =	sld [smem:$0x0];
	_ =	sdelay $0x2  }
0xb8: {  	s31 =	sshll.u32 s1, $0xD;
	s1 =	sshrl.u32 s1, $0x2  }
0xb9: {  	s3 =	sand.u32 $0x4000, s31;
	s1 =	sadd.s32 s1, s30  }
0xba: {  	s0 =	sor.u32 s3, s0;
	s1 =	sshll.u32 s1, $0x11  }
0xbb: {  	s0 =	sor.u32 s1, s0  }
0xbc: {  	s0 =	sadd.s32 $0x8F2B, s0  }
0xbd: {  	[sflag:s0] =	ssyncadd.remote.s32 $0x1  }
0xbe: {  	_ =	sfence.sel $0xFFFF  }
0xbf: {  	[dreg:$0x0] =	wrdreg $0xFFFFFFFF;
	(pc) =	sbr.abs _section_cstart, $3  }
0xc0: {  	[dreg:$0x1] =	wrdreg $0xFFFFFFFF  }
0xc1: {  	_ =	task.clear_ibuf [dreg:s6], $0x2FFFF;
	_ =	strace $0x9FFFFFFF  }
0xc2: {  	(tm) =	ssettm $0x7FFFFFFF  }
0xc3: {  	_ =	shalt  }
tec
execute0_lowered:
.L_overlay_start_1:
0x0: {  	(tag) =	ssettag $0x1  }
0x1: {  	s5 =	rddreg [dreg:$0x0]  }
0x2: {  	s1 =	rddreg [dreg:$0x1]  }
0x3: {  	s2 =	srdreg.scid;
	s0 =	rddreg [dreg:$0x2]  }
0x4: {  	s3 =	simm.s32 $0x0;
	s16 =	simm.s32 $0x80;
	s17 =	simm.s32 $0x2800  }
0x5: {  	s18 =	simm.s32 $0x6800;
	s19 =	simm.s32 $0x1;
	s20 =	simm.s32 $0x2  }
0x6: {  	s21 =	simm.s32 $0x1380;
	s22 =	simm.s32 $0x2700;
	s6 =	sand.u32 $0x1, s2  }
0x7: {  	s23 =	simm.s32 $0x2780;
	s2 =	stileid.u32;
	s7 =	smul.u32 $0x2800, s6  }
0x8: {  	s24 =	simm.s32 $0x0;
	[smem:$0x7FF] =	sst s3;
	s8 =	smul.u32 $0x280, s2  }
0x9: {  	s4 =	sadd.s32 $0xF600, s5;
	s11 =	sadd.s32 $0x65000, s5;
	s26 =	smul.u32 $0x50000, s2  }
0xa: {  	s12 =	sadd.s32 $0x6F000, s5;
	s9 =	ssub.s32 $0x2, s6;
	s6 =	smul.u32 $0x28000, s6  }
0xb: {  	_ =	strace $0x8000004A;
	s13 =	smul.u32 $0x2800, s2;
	s28 =	sshll.u32 s2, $0x6  }
0xc: {  	s10 =	sshrl.u32 s9, $0x1;
	s7 =	sadd.s32 s8, s7;
	s8 =	sshrl.u32 s26, $0x2  }
0xd: {  	s9 =	ssub.s32 s9, s10;
	s29 =	sadd.s32 s13, s6;
	s6 =	sor.u32 $0x1C03, s28  }
0xe: {  	s7 =	sshll.u32 s7, $0x4;
	s15 =	sadd.s32 s8, s1;
	s30 =	sshrl.u32 s29, $0x3  }
0xf: {  	s8 =	smax.u32 s9, $0x1;
	s14 =	sadd.s32 s7, s5;
	s5 =	sadd.s32 s4, s7  }
0x10: {  	s9 =	sadd.s32 s11, s30;
	s31 =	sadd.s32 $0x280, s30;
	s10 =	sadd.s32 s12, s30  }
0x11: {  	s13 =	sshrl.u32 s15, $0x3;
	s15 =	simm.s32 $0x1400;
	s7 =	sadd.s32 $0x79000, s14  }
0x12: {  	s11 =	sadd.s32 s11, s31;
	s12 =	sadd.s32 s12, s31;
	s14 =	simm.s32 $0x3  }
.LBB2_1:
0x13: {  	[spmem:s13], [sflag:s6] =	dma.local [hbm:s5], $0x2800  }
0x14: {  	_ =	swait.ge [sflag:s14], $0x2800  }
0x15: {  	[sflag:s14] =	ssyncset.done $0x0  }
0x16: {  	[sflag:s14] =	ssyncadd.s32 $0xFFFFD800  }
0x17: {  	[bflag:$0x0] =	sbarrier.arrive $0xFFFF  }
0x18: {  	[tilespmem:s3], [sflag:$0x3] =	stream.linear.gather [hbm4b:s9+s3], $0x1400, $0x38;
	[tilespmem:$0x1E800] =	vst v63  }
0x19: {  	_ =	swait.ge [sflag:s14], $0x1400  }
0x1a: {  	[sflag:s14] =	ssyncset.done $0x0  }
0x1b: {  	[sflag:s14] =	ssyncadd.s32 $0xFFFFEC00  }
0x1c: {  	[tilespmem:s15], [sflag:$0x3] =	stream.linear.gather [hbm4b:s10+s3], $0x1400, $0x38;
	[tilespmem:$0x1E800] =	vst v63  }
0x1d: {  	_ =	swait.ge [sflag:s14], $0x1400  }
0x1e: {  	[sflag:s14] =	ssyncset.done $0x0  }
0x1f: {  	[sflag:s14] =	ssyncadd.s32 $0xFFFFEC00  }
0x20: {  	[tilespmem:s17], [sflag:$0x1] =	stream.indirect.gather [hbm4b:s4+s16], $0x80, s3, s16, $0xb8;
	[tilespmem:$0x1E800] =	vst v63  }
0x21: {  	s25 =	simm.s32 $0x80  }
0x22: {  	[tilespmem:s18], [sflag:$0x2] =	stream.indirect.gather [hbm4b:s4+s16], $0x80, s25, s16, $0xb8;
	[tilespmem:$0x1E800] =	vst v63  }
0x23: {  	_ =	swait.ge [sflag:s19], $0x4000  }
0x24: {  	[sflag:s19] =	ssyncset.done $0x0  }
0x25: {  	s29 =	simm.s32 $0x1400;
	[sflag:s19] =	ssyncadd.s32 $0xFFFFC000  }
0x26: {  	[spmem:s1] =	stream.indirect.scatter.add.f32 [tilespmem:s17], [sflag:$0x3], $0x80, s29, s16, $0xb8;
	[tilespmem:$0x1E800] =	vst v63  }
0x27: {  	_ =	swait.ge [sflag:s14], $0x4000  }
0x28: {  	[sflag:s14] =	ssyncset.done $0x0  }
0x29: {  	s30 =	simm.s32 $0x100;
	[sflag:s14] =	ssyncadd.s32 $0xFFFFC000  }
0x2a: {  	[tilespmem:s17], [sflag:$0x1] =	stream.indirect.gather [hbm4b:s4+s16], $0x80, s30, s16, $0xb8;
	[tilespmem:$0x1E800] =	vst v63  }
0x2b: {  	_ =	swait.ge [sflag:s20], $0x4000  }
0x2c: {  	[sflag:s20] =	ssyncset.done $0x0  }
0x2d: {  	s31 =	simm.s32 $0x1480;
	[sflag:s20] =	ssyncadd.s32 $0xFFFFC000  }
0x2e: {  	[spmem:s1] =	stream.indirect.scatter.add.f32 [tilespmem:s18], [sflag:$0x3], $0x80, s31, s16, $0xb8;
	[tilespmem:$0x1E800] =	vst v63  }
0x2f: {  	_ =	swait.ge [sflag:s14], $0x4000  }
0x30: {  	s26 =	simm.s32 $0x800;
	s25 =	simm.s32 $0x100;
	[sflag:s14] =	ssyncset.done $0x0  }
.LBB2_2:
0x31: {  	s28 =	sadd.s32 $0x80, s25  }
0x32: {  	[sflag:s14] =	ssyncadd.s32 $0xFFFFC000;
	s29 =	smov.u32 s26;
	s30 =	sadd.s32 $0x400, s26  }
0x33: {  	[tilespmem:s18], [sflag:$0x2] =	stream.indirect.gather [hbm4b:s4+s16], $0x80, s28, s16, $0xb8;
	[tilespmem:$0x1E800] =	vst v63  }
0x34: {  	p0 =	sne.s32 s26, $0x4800;
	_ =	swait.ge [sflag:s19], $0x4000  }
0x35: {  	[sflag:s19] =	ssyncset.done $0x0  }
0x36: {  	s26 =	sadd.s32 $0x1400, s25;
	[sflag:s19] =	ssyncadd.s32 $0xFFFFC000  }
0x37: {  	[spmem:s1] =	stream.indirect.scatter.add.f32 [tilespmem:s17], [sflag:$0x3], $0x80, s26, s16, $0xb8;
	[tilespmem:$0x1E800] =	vst v63  }
0x38: {  	_ =	swait.ge [sflag:s14], $0x4000  }
0x39: {  	[sflag:s14] =	ssyncset.done $0x0  }
0x3a: {  	s26 =	sadd.s32 $0x100, s25;
	[sflag:s14] =	ssyncadd.s32 $0xFFFFC000  }
0x3b: {  	[tilespmem:s17], [sflag:$0x1] =	stream.indirect.gather [hbm4b:s4+s16], $0x80, s26, s16, $0xb8;
	[tilespmem:$0x1E800] =	vst v63  }
0x3c: {  	_ =	swait.ge [sflag:s20], $0x4000  }
.Ltmp0:
0x3d: {  	[sflag:s20] =	ssyncset.done $0x0;
	(pc) =	sbr.rel @p0 .LBB2_2-.Ltmp0, $4  }
0x3e: {  	s25 =	sadd.s32 $0x1480, s25;
	[sflag:s20] =	ssyncadd.s32 $0xFFFFC000  }
0x3f: {  	[spmem:s1] =	stream.indirect.scatter.add.f32 [tilespmem:s18], [sflag:$0x3], $0x80, s25, s16, $0xb8;
	[tilespmem:$0x1E800] =	vst v63  }
0x40: {  	_ =	swait.ge [sflag:s14], $0x4000  }
0x41: {  	s26 =	smov.u32 s30;
	s25 =	sshra.s32 s29, $0x2;
	[sflag:s14] =	ssyncset.done $0x0  }
0x42: {  	s26 =	sadd.s32 $0x80, s25;
	[sflag:s14] =	ssyncadd.s32 $0xFFFFC000  }
0x43: {  	[tilespmem:s18], [sflag:$0x2] =	stream.indirect.gather [hbm4b:s4+s16], $0x80, s26, s16, $0xb8;
	[tilespmem:$0x1E800] =	vst v63  }
0x44: {  	_ =	swait.ge [sflag:s19], $0x4000  }
0x45: {  	[sflag:s19] =	ssyncset.done $0x0  }
0x46: {  	s29 =	sadd.s32 $0x1400, s25;
	[sflag:s19] =	ssyncadd.s32 $0xFFFFC000  }
0x47: {  	[spmem:s1] =	stream.indirect.scatter.add.f32 [tilespmem:s17], [sflag:$0x3], $0x80, s29, s16, $0xb8;
	[tilespmem:$0x1E800] =	vst v63  }
0x48: {  	_ =	swait.ge [sflag:s14], $0x4000  }
0x49: {  	[sflag:s14] =	ssyncset.done $0x0  }
0x4a: {  	s30 =	sadd.s32 $0x100, s25;
	[sflag:s14] =	ssyncadd.s32 $0xFFFFC000  }
0x4b: {  	[tilespmem:s17], [sflag:$0x1] =	stream.indirect.gather [hbm4b:s4+s16], $0x80, s30, s16, $0xb8;
	[tilespmem:$0x1E800] =	vst v63  }
0x4c: {  	_ =	swait.ge [sflag:s20], $0x4000  }
0x4d: {  	[sflag:s20] =	ssyncset.done $0x0  }
0x4e: {  	s31 =	sadd.s32 $0x1480, s25;
	[sflag:s20] =	ssyncadd.s32 $0xFFFFC000  }
0x4f: {  	[spmem:s1] =	stream.indirect.scatter.add.f32 [tilespmem:s18], [sflag:$0x3], $0x80, s31, s16, $0xb8;
	[tilespmem:$0x1E800] =	vst v63  }
0x50: {  	_ =	swait.ge [sflag:s14], $0x4000  }
0x51: {  	[sflag:s14] =	ssyncset.done $0x0  }
0x52: {  	[sflag:s14] =	ssyncadd.s32 $0xFFFFC000  }
0x53: {  	[tilespmem:s18], [sflag:$0x2] =	stream.indirect.gather [hbm4b:s4+s16], $0x80, s21, s16, $0xb8;
	[tilespmem:$0x1E800] =	vst v63  }
0x54: {  	_ =	swait.ge [sflag:s19], $0x4000  }
0x55: {  	[sflag:s19] =	ssyncset.done $0x0  }
0x56: {  	[sflag:s19] =	ssyncadd.s32 $0xFFFFC000  }
0x57: {  	[spmem:s1] =	stream.indirect.scatter.add.f32 [tilespmem:s17], [sflag:$0x3], $0x80, s22, s16, $0xb8;
	[tilespmem:$0x1E800] =	vst v63  }
0x58: {  	_ =	swait.ge [sflag:s14], $0x4000  }
0x59: {  	[sflag:s14] =	ssyncset.done $0x0  }
0x5a: {  	[sflag:s14] =	ssyncadd.s32 $0xFFFFC000  }
0x5b: {  	_ =	swait.ge [sflag:s20], $0x4000  }
0x5c: {  	[sflag:s20] =	ssyncset.done $0x0  }
0x5d: {  	[sflag:s20] =	ssyncadd.s32 $0xFFFFC000  }
0x5e: {  	[spmem:s1] =	stream.indirect.scatter.add.f32 [tilespmem:s18], [sflag:$0x3], $0x80, s23, s16, $0xb8;
	[tilespmem:$0x1E800] =	vst v63  }
0x5f: {  	_ =	swait.ge [sflag:s14], $0x4000  }
0x60: {  	[sflag:s14] =	ssyncset.done $0x0  }
0x61: {  	s26 =	simm.s32 $0x0;
	[sflag:s14] =	ssyncadd.s32 $0xFFFFC000  }
0x62: {  	[tilespmem:s26], [sflag:$0x3] =	stream.linear.gather [hbm4b:s11+s26], $0x1400, $0x38;
	[tilespmem:$0x1E800] =	vst v63  }
0x63: {  	_ =	swait.ge [sflag:s14], $0x1400  }
0x64: {  	[sflag:s14] =	ssyncset.done $0x0  }
0x65: {  	[sflag:s14] =	ssyncadd.s32 $0xFFFFEC00  }
0x66: {  	[tilespmem:s15], [sflag:$0x3] =	stream.linear.gather [hbm4b:s12+s26], $0x1400, $0x38;
	[tilespmem:$0x1E800] =	vst v63  }
0x67: {  	_ =	swait.ge [sflag:s14], $0x1400  }
0x68: {  	[sflag:s14] =	ssyncset.done $0x0  }
0x69: {  	[sflag:s14] =	ssyncadd.s32 $0xFFFFEC00  }
0x6a: {  	[tilespmem:s17], [sflag:$0x1] =	stream.indirect.gather [hbm4b:s4+s16], $0x80, s26, s16, $0xb8;
	[tilespmem:$0x1E800] =	vst v63  }
0x6b: {  	s28 =	simm.s32 $0x80  }
0x6c: {  	[tilespmem:s18], [sflag:$0x2] =	stream.indirect.gather [hbm4b:s4+s16], $0x80, s28, s16, $0xb8;
	[tilespmem:$0x1E800] =	vst v63  }
0x6d: {  	_ =	swait.ge [sflag:s19], $0x4000  }
0x6e: {  	[sflag:s19] =	ssyncset.done $0x0  }
0x6f: {  	s29 =	simm.s32 $0x1400;
	[sflag:s19] =	ssyncadd.s32 $0xFFFFC000  }
0x70: {  	[spmem:s1] =	stream.indirect.scatter.add.f32 [tilespmem:s17], [sflag:$0x3], $0x80, s29, s16, $0xb8;
	[tilespmem:$0x1E800] =	vst v63  }
0x71: {  	_ =	swait.ge [sflag:s14], $0x4000  }
0x72: {  	[sflag:s14] =	ssyncset.done $0x0  }
0x73: {  	s30 =	simm.s32 $0x100;
	[sflag:s14] =	ssyncadd.s32 $0xFFFFC000  }
0x74: {  	[tilespmem:s17], [sflag:$0x1] =	stream.indirect.gather [hbm4b:s4+s16], $0x80, s30, s16, $0xb8;
	[tilespmem:$0x1E800] =	vst v63  }
0x75: {  	_ =	swait.ge [sflag:s20], $0x4000  }
0x76: {  	[sflag:s20] =	ssyncset.done $0x0  }
0x77: {  	s31 =	simm.s32 $0x1480;
	[sflag:s20] =	ssyncadd.s32 $0xFFFFC000  }
0x78: {  	[spmem:s1] =	stream.indirect.scatter.add.f32 [tilespmem:s18], [sflag:$0x3], $0x80, s31, s16, $0xb8;
	[tilespmem:$0x1E800] =	vst v63  }
0x79: {  	_ =	swait.ge [sflag:s14], $0x4000  }
0x7a: {  	s25 =	simm.s32 $0x100;
	s26 =	simm.s32 $0x800;
	[sflag:s14] =	ssyncset.done $0x0  }
.LBB2_4:
0x7b: {  	s28 =	sadd.s32 $0x80, s25  }
0x7c: {  	[sflag:s14] =	ssyncadd.s32 $0xFFFFC000;
	s29 =	smov.u32 s26;
	s30 =	sadd.s32 $0x400, s26  }
0x7d: {  	[tilespmem:s18], [sflag:$0x2] =	stream.indirect.gather [hbm4b:s4+s16], $0x80, s28, s16, $0xb8;
	[tilespmem:$0x1E800] =	vst v63  }
0x7e: {  	p0 =	sne.s32 s26, $0x4800;
	_ =	swait.ge [sflag:s19], $0x4000  }
0x7f: {  	[sflag:s19] =	ssyncset.done $0x0  }
0x80: {  	s26 =	sadd.s32 $0x1400, s25;
	[sflag:s19] =	ssyncadd.s32 $0xFFFFC000  }
0x81: {  	[spmem:s1] =	stream.indirect.scatter.add.f32 [tilespmem:s17], [sflag:$0x3], $0x80, s26, s16, $0xb8;
	[tilespmem:$0x1E800] =	vst v63  }
0x82: {  	_ =	swait.ge [sflag:s14], $0x4000  }
0x83: {  	[sflag:s14] =	ssyncset.done $0x0  }
0x84: {  	s26 =	sadd.s32 $0x100, s25;
	[sflag:s14] =	ssyncadd.s32 $0xFFFFC000  }
0x85: {  	[tilespmem:s17], [sflag:$0x1] =	stream.indirect.gather [hbm4b:s4+s16], $0x80, s26, s16, $0xb8;
	[tilespmem:$0x1E800] =	vst v63  }
0x86: {  	_ =	swait.ge [sflag:s20], $0x4000  }
.Ltmp1:
0x87: {  	[sflag:s20] =	ssyncset.done $0x0;
	(pc) =	sbr.rel @p0 .LBB2_4-.Ltmp1, $4  }
0x88: {  	s25 =	sadd.s32 $0x1480, s25;
	[sflag:s20] =	ssyncadd.s32 $0xFFFFC000  }
0x89: {  	[spmem:s1] =	stream.indirect.scatter.add.f32 [tilespmem:s18], [sflag:$0x3], $0x80, s25, s16, $0xb8;
	[tilespmem:$0x1E800] =	vst v63  }
0x8a: {  	_ =	swait.ge [sflag:s14], $0x4000  }
0x8b: {  	s26 =	smov.u32 s30;
	s25 =	sshra.s32 s29, $0x2;
	[sflag:s14] =	ssyncset.done $0x0  }
0x8c: {  	s26 =	sadd.s32 $0x80, s25;
	[sflag:s14] =	ssyncadd.s32 $0xFFFFC000  }
0x8d: {  	[tilespmem:s18], [sflag:$0x2] =	stream.indirect.gather [hbm4b:s4+s16], $0x80, s26, s16, $0xb8;
	[tilespmem:$0x1E800] =	vst v63  }
0x8e: {  	_ =	swait.ge [sflag:s19], $0x4000  }
0x8f: {  	[sflag:s19] =	ssyncset.done $0x0  }
0x90: {  	s29 =	sadd.s32 $0x1400, s25;
	[sflag:s19] =	ssyncadd.s32 $0xFFFFC000  }
0x91: {  	[spmem:s1] =	stream.indirect.scatter.add.f32 [tilespmem:s17], [sflag:$0x3], $0x80, s29, s16, $0xb8;
	[tilespmem:$0x1E800] =	vst v63  }
0x92: {  	_ =	swait.ge [sflag:s14], $0x4000  }
0x93: {  	[sflag:s14] =	ssyncset.done $0x0  }
0x94: {  	s30 =	sadd.s32 $0x100, s25;
	[sflag:s14] =	ssyncadd.s32 $0xFFFFC000  }
0x95: {  	[tilespmem:s17], [sflag:$0x1] =	stream.indirect.gather [hbm4b:s4+s16], $0x80, s30, s16, $0xb8;
	[tilespmem:$0x1E800] =	vst v63  }
0x96: {  	_ =	swait.ge [sflag:s20], $0x4000  }
0x97: {  	[sflag:s20] =	ssyncset.done $0x0  }
0x98: {  	s31 =	sadd.s32 $0x1480, s25;
	[sflag:s20] =	ssyncadd.s32 $0xFFFFC000  }
0x99: {  	[spmem:s1] =	stream.indirect.scatter.add.f32 [tilespmem:s18], [sflag:$0x3], $0x80, s31, s16, $0xb8;
	[tilespmem:$0x1E800] =	vst v63  }
0x9a: {  	_ =	swait.ge [sflag:s14], $0x4000  }
0x9b: {  	[sflag:s14] =	ssyncset.done $0x0  }
0x9c: {  	[sflag:s14] =	ssyncadd.s32 $0xFFFFC000  }
0x9d: {  	[tilespmem:s18], [sflag:$0x2] =	stream.indirect.gather [hbm4b:s4+s16], $0x80, s21, s16, $0xb8;
	[tilespmem:$0x1E800] =	vst v63  }
0x9e: {  	_ =	swait.ge [sflag:s19], $0x4000  }
0x9f: {  	[sflag:s19] =	ssyncset.done $0x0  }
0xa0: {  	[sflag:s19] =	ssyncadd.s32 $0xFFFFC000  }
0xa1: {  	[spmem:s1] =	stream.indirect.scatter.add.f32 [tilespmem:s17], [sflag:$0x3], $0x80, s22, s16, $0xb8;
	[tilespmem:$0x1E800] =	vst v63  }
0xa2: {  	_ =	swait.ge [sflag:s14], $0x4000  }
0xa3: {  	[sflag:s14] =	ssyncset.done $0x0  }
0xa4: {  	[sflag:s14] =	ssyncadd.s32 $0xFFFFC000  }
0xa5: {  	_ =	swait.ge [sflag:s20], $0x4000  }
0xa6: {  	[sflag:s20] =	ssyncset.done $0x0  }
0xa7: {  	[sflag:s20] =	ssyncadd.s32 $0xFFFFC000  }
0xa8: {  	[spmem:s1] =	stream.indirect.scatter.add.f32 [tilespmem:s18], [sflag:$0x3], $0x80, s23, s16, $0xb8;
	[tilespmem:$0x1E800] =	vst v63  }
0xa9: {  	_ =	swait.ge [sflag:s14], $0x4000  }
0xaa: {  	s24 =	sadd.s32 $0x1, s24;
	[sflag:s14] =	ssyncset.done $0x0  }
0xab: {  	p0 =	sne.s32 s24, s8;
	[sflag:s14] =	ssyncadd.s32 $0xFFFFC000  }
.Ltmp2:
0xac: {  	[bflag:$0x0] =	sbarrier.arrive $0xFFFF;
	(pc) =	sbr.rel @p0 .LBB2_1-.Ltmp2, $4  }
0xad: {  	[hbm:s7], [sflag:s6] =	dma.local [spmem:s13], $0x2800  }
0xae: {  	_ =	swait.ge [sflag:s14], $0x2800  }
0xaf: {  	[sflag:s14] =	ssyncset.done $0x0  }
0xb0: {  	[sflag:s14] =	ssyncadd.s32 $0xFFFFD800  }
0xb1: {  	_ =	sfence.sel $0x180000  }
0xb2: {  	[bflag:$0x0] =	sbarrier.arrive $0xFFFF  }
0xb3: {  	p0 =	sne.s32 s2, $0x0;
	_ =	strace $0x9000004A  }
0xb4: {  	s0 =	sadd.s32 @!p0 $0x100000, s0;
	[bflag:$0x2] =	sbarrier.arrive $0xFFFF  }
0xb5: {  	[sflag:s0] =	ssyncadd.tile.s32 @!p0 $0x1;
	_ =	shalt  }
.Lfunc_end2:
_tile_overlayer_lowered:
.L_overlay_start_2:
0xb6: {  	(tag) =	ssettag $0x2  }
0xb7: {  	s0 =	rddreg [dreg:$0x0];
	s2 =	stileid.u32  }
0xb8: {  	s1 =	rddreg [dreg:$0x1];
	p0 =	sne.s32 s2, $0x0  }
0xb9: {  	s3 =	rddreg [dreg:$0x2];
	[bflag:$0x3] =	sbarrier.arrive $0xFFFF;
	s2 =	simm.s32 @!p0 $0x1C03  }
0xba: {  	[timem:s3], [sflag:s2] =	dma.local @!p0 [hbm:s0], s1  }
0xbb: {  	s0 =	simm.s32 @!p0 $0x3  }
0xbc: {  	_ =	swait.ge @!p0 [sflag:s0], s1  }
0xbd: {  	s1 =	ssub.s32 @!p0 $0x0, s1;
	[sflag:s0] =	ssyncset.done @!p0 $0x0  }
0xbe: {  	[sflag:s0] =	ssyncadd.s32 @!p0 s1  }
0xbf: {  	[bflag:$0x3] =	sbarrier.arrive $0xFFFF  }
0xc0: {  	_ =	shalt  }

// kernel: kernel.14.cloned.1.call-start
scs
__scs_entry_jumppad:
0x0: {  	(pc) =	sbr.rel $0x88, $3  }
0x1: {  	(tag) =	ssettag $0x0;
	lr =	simm.s32 $0x1  }
0x2: {  	[smem:$0x3F94] =	sst lr;
	_ =	strace $0xD0000000  }
0x3: {  	_ = 	snop  }
0x4: {  	_ = 	snop  }
0x5: {  	_ = 	snop  }
0x6: {  	_ = 	snop  }
0x7: {  	_ = 	snop  }
__scs_overlays_trampoline_lowered:
0x8: {  	[smem:$0x3FA3] =	sst s0  }
0x9: {  	[smem:$0x3FA4] =	sst s1  }
0xa: {  	[smem:$0x3FA5] =	sst s2  }
0xb: {  	[smem:$0x3FA6] =	sst s3  }
0xc: {  	[smem:$0x3FA7] =	sst s4  }
0xd: {  	[smem:$0x3FA8] =	sst s5  }
0xe: {  	[smem:$0x3FA9] =	sst s6  }
0xf: {  	[smem:$0x3FAA] =	sst s7  }
0x10: {  	[smem:$0x3FAB] =	sst s8  }
0x11: {  	[smem:$0x3FAC] =	sst s9;
	s0 =	simm.s32 @!p0 $0x0  }
0x12: {  	s1 =	sld [smem:$0x3F92];
	s0 =	simm.s32 @p0 $0x1  }
0x13: {  	[smem:$0x3FAD] =	sst s0;
	s0 =	simm.s32 @!p1 $0x0  }
0x14: {  	s2 =	sld [smem:$0x3F91];
	s0 =	simm.s32 @p1 $0x1  }
0x15: {  	[smem:$0x3FAE] =	sst s0;
	s0 =	simm.s32 @!p2 $0x0  }
0x16: {  	s3 =	sld [smem:$0x3FDB];
	s0 =	simm.s32 @p2 $0x1  }
0x17: {  	s4 =	simm.s32 $0x1BF5;
	[smem:$0x3FB0] =	sst s0  }
0x18: {  	s0 =	sld [smem:$0x3F93];
	_ =	swait.ge [sflag:s4], $0x0  }
0x19: {  	s7 =	sld [smem:$0x3F94]  }
0x1a: {  	s8 =	sadd.s32 $0xFFFFE003, lr  }
0x1b: {  	s9 =	sadd.s32 $0xFFFFFEF7, lr;
	s5 =	simm.s32 $0xFFFFFFFF;
	p2 =	slt.u32 s8, $0xFFFFF086  }
0x1c: {  	p1 =	slt.u32 s9, $0xF7A;
	s5 =	simm.s32 @!p2 $0x0  }
0x1d: {  	s5 =	simm.s32 @p1 $0x1;
	p0 =	seq.s32 s7, s2  }
0x1e: {  	s7 =	smul.u32 @!p0 $0xF7A, s2;
	p2 =	seq.s32 @!p0 s5, $0x0  }
0x1f: {  	s9 =	smul.u32 $0xF7A, s1;
	s8 =	simm.s32 @!p0 $0x1BF5;
	p2 =	por !p2, p0  }
0x20: {  	[sflag:s8] =	ssyncset.s32 @!p0 $0xFFFFF086;
	s6 =	sadd.s32 @!p0 s3, s7;
	s7 =	simm.s32 @!p0 $0x108  }
0x21: {  	s3 =	sadd.s32 s3, s9;
	s6 =	sadd.s32 @!p0 $0x88, s6;
	s7 =	simm.s32 @p2 $0x1082  }
0x22: {  	[simem:s7], [sflag:s8] =	dma.local @!p0 [hbm:s6], $0xF7A  }
0x23: {  	s9 =	sor.u32 $0xD0000000, s2;
	s6 =	simm.s32 $0x108;
	_ =	swait.ge @!p0 [sflag:s8], $0x0  }
0x24: {  	s3 =	sadd.s32 $0x88, s3;
	s6 =	simm.s32 @!p1 $0x1082;
	[sflag:s4] =	ssyncset.s32 $0xFFFFF086  }
0x25: {  	[simem:s6], [sflag:s4] =	dma.local [hbm:s3], $0xF7A  }
0x26: {  	[smem:$0x3F94] =	sst s1;
	(tag) =	ssettag s2;
	_ =	strace s9  }
0x27: {  	s1 =	sld [smem:$0x3FA4]  }
0x28: {  	s2 =	sld [smem:$0x3FA5]  }
0x29: {  	s4 =	sld [smem:$0x3FA7]  }
0x2a: {  	p0 =	seq.s32 s5, $0x0;
	s5 =	sld [smem:$0x3FA8]  }
0x2b: {  	s6 =	sld [smem:$0x3FA9]  }
0x2c: {  	s7 =	sld [smem:$0x3FAA]  }
0x2d: {  	s3 =	simm.s32 $0x108;
	s8 =	sld [smem:$0x3FAB]  }
0x2e: {  	s3 =	simm.s32 @!p0 $0x1082;
	s9 =	sld [smem:$0x3FAC]  }
0x2f: {  	lr =	sadd.s32 s0, s3;
	s0 =	sld [smem:$0x3FA3]  }
0x30: {  	s3 =	sld [smem:$0x3FA6]  }
0x31: {  	[smem:$0x3FAF] =	sst s10  }
0x32: {  	s10 =	sld [smem:$0x3FAD];
	_ =	sdelay $0x3  }
0x33: {  	p0 =	seq.s32 s10, $0x1;
	s10 =	sld [smem:$0x3FAF];
	_ =	sdelay $0x3  }
0x34: {  	[smem:$0x3FAF] =	sst s10  }
0x35: {  	s10 =	sld [smem:$0x3FAE];
	_ =	sdelay $0x3  }
0x36: {  	p1 =	seq.s32 s10, $0x1;
	s10 =	sld [smem:$0x3FAF];
	_ =	sdelay $0x3  }
0x37: {  	[smem:$0x3FAF] =	sst s10  }
0x38: {  	s10 =	sld [smem:$0x3FB0]  }
0x39: {  	_ = 	snop;
	(pc) =	sbr.ind lr, $3  }
0x3a: {  	_ = 	snop  }
0x3b: {  	_ = 	snop  }
0x3c: {  	p2 =	seq.s32 s10, $0x1;
	s10 =	sld [smem:$0x3FAF]  }
0x3d: {  	_ =	shalt  }
0x3e: {  	_ =	shalt  }
0x3f: {  	_ =	shalt  }
0x40: {  	_ =	shalt  }
0x41: {  	_ =	shalt  }
0x42: {  	_ =	shalt  }
0x43: {  	_ =	shalt  }
0x44: {  	_ =	shalt  }
0x45: {  	_ =	shalt  }
0x46: {  	_ =	shalt  }
0x47: {  	_ =	shalt  }
0x48: {  	_ =	shalt  }
0x49: {  	_ =	shalt  }
0x4a: {  	_ =	shalt  }
0x4b: {  	_ =	shalt  }
0x4c: {  	_ =	shalt  }
0x4d: {  	_ =	shalt  }
0x4e: {  	_ =	shalt  }
0x4f: {  	_ =	shalt  }
0x50: {  	_ =	shalt  }
0x51: {  	_ =	shalt  }
0x52: {  	_ =	shalt  }
0x53: {  	_ =	shalt  }
0x54: {  	_ =	shalt  }
0x55: {  	_ =	shalt  }
0x56: {  	_ =	shalt  }
0x57: {  	_ =	shalt  }
0x58: {  	_ =	shalt  }
0x59: {  	_ =	shalt  }
0x5a: {  	_ =	shalt  }
0x5b: {  	_ =	shalt  }
0x5c: {  	_ =	shalt  }
0x5d: {  	_ =	shalt  }
0x5e: {  	_ =	shalt  }
0x5f: {  	_ =	shalt  }
0x60: {  	_ =	shalt  }
0x61: {  	_ =	shalt  }
0x62: {  	_ =	shalt  }
0x63: {  	_ =	shalt  }
0x64: {  	_ =	shalt  }
0x65: {  	_ =	shalt  }
0x66: {  	_ =	shalt  }
0x67: {  	_ =	shalt  }
0x68: {  	_ =	shalt  }
0x69: {  	_ =	shalt  }
0x6a: {  	_ =	shalt  }
0x6b: {  	_ =	shalt  }
0x6c: {  	_ =	shalt  }
0x6d: {  	_ =	shalt  }
0x6e: {  	_ =	shalt  }
0x6f: {  	_ =	shalt  }
0x70: {  	_ =	shalt  }
0x71: {  	_ =	shalt  }
0x72: {  	_ =	shalt  }
0x73: {  	_ =	shalt  }
0x74: {  	_ =	shalt  }
0x75: {  	_ =	shalt  }
0x76: {  	_ =	shalt  }
0x77: {  	_ =	shalt  }
0x78: {  	_ =	shalt  }
0x79: {  	_ =	shalt  }
0x7a: {  	_ =	shalt  }
0x7b: {  	_ =	shalt  }
0x7c: {  	_ =	shalt  }
0x7d: {  	_ =	shalt  }
0x7e: {  	_ =	shalt  }
0x7f: {  	_ =	shalt  }
0x80: {  	_ =	shalt  }
0x81: {  	_ =	shalt  }
0x82: {  	_ =	shalt  }
0x83: {  	_ =	shalt  }
0x84: {  	_ =	shalt  }
0x85: {  	_ =	shalt  }
0x86: {  	_ =	shalt  }
0x87: {  	_ =	shalt  }
.Lfunc_end0:
.L_simem_size_0:
called_computation.2_lowered:
.L_overlay_start_0:
0x88: {  	s2 =	sld [smem:$0x3FD9]  }
0x89: {  	s3 =	sld [smem:$0x3FFE];
	_ =	sdelay $0x1  }
0x8a: {  	s1 =	srdreg.scid  }
0x8b: {  	s0 =	sand.u32 $0x1, s1  }
0x8c: {  	s16 =	sshll.u32 s0, $0xA;
	s2 =	sadd.s32 s3, s2  }
0x8d: {  	s2 =	sadd.s32 s2, s16  }
0x8e: {  	[smem:$0x3FBB] =	sst s2  }
0x8f: {  	_ = 	snop  }
0x90: {  	(tm) =	ssettm $0x1  }
0x91: {  	s17 =	sld [smem:$0x3FFB];
	_ =	sdelay $0x3  }
0x92: {  	_ =	strace s17  }
0x93: {  	s2 =	sld [smem:$0x3FFC];
	_ =	sdelay $0x3  }
0x94: {  	_ =	strace s2  }
0x95: {  	s2 =	sld [smem:$0x3FFD];
	_ =	sdelay $0x3  }
0x96: {  	_ =	strace s2  }
0x97: {  	_ =	strace $0x8FFFFFFF  }
0x98: {  	s18 =	sld [smem:$0x3FDB];
	_ =	sdelay $0x1  }
0x99: {  	s19 =	simm.s32 $_scs_section_size  }
0x9a: {  	s4 =	simm.s32 $_size__tile_overlayer_lowered;
	s5 =	simm.s32 $_tile_overlayer_lowered  }
0x9b: {  	s22 =	simm.s32 $0x1BFF;
	s21 =	sshll.u32 s5, $0x1;
	s2 =	sadd.s32 s19, s18  }
0x9c: {  	s6 =	simm.s32 $0x0;
	s20 =	sshll.u32 s4, $0x1;
	s4 =	sadd.s32 s21, s2  }
0x9d: {  	[timem:s6], [sflag:s22] =	dma.local [hbm:s4], s20  }
0x9e: {  	_ =	swait.ge [sflag:s22], s20  }
0x9f: {  	s3 =	ssub.s32 $0x0, s20;
	[sflag:s22] =	ssyncset.done $0x0  }
0xa0: {  	[sflag:s22] =	ssyncadd.s32 s3;
	_ =	sdelay $0x1  }
0xa1: {  	s23 =	simm.s32 $0x1B8B  }
0xa2: {  	_ =	swait.ge [sflag:s23], $0x1  }
0xa3: {  	[sflag:s23] =	ssyncset.done $0x0  }
0xa4: {  	s25 =	simm.s32 $0x1B8E;
	s24 =	sld [smem:$0x3FFE];
	[sflag:s23] =	ssyncadd.s32 $0xFFFFFFFF  }
0xa5: {  	s26 =	simm.s32 $execute0_lowered;
	[smem:$0x3FD2] =	sst s25  }
0xa6: {  	s4 =	sshll.u32 s26, $0x1;
	_ =	strace $0x8000004C;
	[dreg:$0x1] =	wrdreg $0xFFFFFFFF  }
0xa7: {  	s28 =	simm.s32 $_size_execute0_lowered;
	s2 =	sadd.s32 s2, s4;
	[dreg:$0x0] =	wrdreg $0x0  }
0xa8: {  	s4 =	sshll.u32 s28, $0x1;
	[dreg:$0x2] =	wrdreg s2  }
0xa9: {  	[dreg:$0x3] =	wrdreg s4  }
0xaa: {  	[dreg:$0x4] =	wrdreg $0xC0  }
0xab: {  	_ =	task [dreg:s6], $0x5FFFF  }
0xac: {  	[dreg:$0x1] =	wrdreg $0xFFFFFFFF  }
0xad: {  	[dreg:$0x0] =	wrdreg $0x60  }
0xae: {  	[dreg:$0x2] =	wrdreg s24  }
0xaf: {  	[dreg:$0x3] =	wrdreg $0xA8000  }
0xb0: {  	[dreg:$0x4] =	wrdreg $0x9  }
0xb1: {  	_ =	task.clear_ibuf [dreg:s6], $0x5FFFF;
	_ =	strace $0x9000004C  }
0xb2: {  	s29 =	simm.s32 $0x9;
	_ =	strace $0x8000004E  }
0xb3: {  	_ =	swait.ge [sflag:s29], $0x1  }
0xb4: {  	[sflag:s29] =	ssyncadd.s32 $0xFFFFFFFF  }
0xb5: {  	_ =	strace $0x9000004E  }
0xb6: {  	_ =	sfence  }
0xb7: {  	s30 =	sld [smem:$0x0];
	_ =	sdelay $0x2  }
0xb8: {  	s31 =	sshll.u32 s1, $0xD;
	s1 =	sshrl.u32 s1, $0x2  }
0xb9: {  	s3 =	sand.u32 $0x4000, s31;
	s1 =	sadd.s32 s1, s30  }
0xba: {  	s0 =	sor.u32 s3, s0;
	s1 =	sshll.u32 s1, $0x11  }
0xbb: {  	s0 =	sor.u32 s1, s0  }
0xbc: {  	s0 =	sadd.s32 $0x8F2B, s0  }
0xbd: {  	[sflag:s0] =	ssyncadd.remote.s32 $0x1  }
0xbe: {  	_ =	sfence.sel $0xFFFF  }
0xbf: {  	[dreg:$0x0] =	wrdreg $0xFFFFFFFF;
	(pc) =	sbr.abs _section_cstart, $3  }
0xc0: {  	[dreg:$0x1] =	wrdreg $0xFFFFFFFF  }
0xc1: {  	_ =	task.clear_ibuf [dreg:s6], $0x2FFFF;
	_ =	strace $0x9FFFFFFF  }
0xc2: {  	(tm) =	ssettm $0x7FFFFFFF  }
0xc3: {  	_ =	shalt  }
tec
execute0_lowered:
.L_overlay_start_1:
0x0: {  	(tag) =	ssettag $0x1  }
0x1: {  	s6 =	rddreg [dreg:$0x0]  }
0x2: {  	s2 =	rddreg [dreg:$0x1]  }
0x3: {  	s0 =	srdreg.scid;
	s1 =	rddreg [dreg:$0x2];
	s3 =	simm.s32 $0x0  }
0x4: {  	s14 =	simm.s32 $0x80;
	s15 =	simm.s32 $0x2800;
	s16 =	simm.s32 $0x6800  }
0x5: {  	s17 =	simm.s32 $0x1;
	s18 =	simm.s32 $0x2;
	s5 =	sand.u32 $0x1, s0  }
0x6: {  	s19 =	simm.s32 $0x1380;
	s0 =	stileid.u32;
	s4 =	smul.u32 $0x14000, s5  }
0x7: {  	s20 =	simm.s32 $0x2700;
	s21 =	simm.s32 $0x2780;
	s7 =	smul.u32 $0x1400, s0  }
0x8: {  	s22 =	simm.s32 $0x0;
	[smem:$0x7FF] =	sst s3;
	s26 =	smul.u32 $0x2800, s0  }
0x9: {  	s9 =	smul.u32 $0x28000, s5;
	_ =	strace $0x8000004D;
	s28 =	ssub.s32 $0x2, s5  }
0xa: {  	s10 =	smul.u32 $0x50000, s0;
	s5 =	sadd.s32 $0xCE00, s6;
	s31 =	sshll.u32 s0, $0x6  }
0xb: {  	s29 =	sshrl.u32 s28, $0x1;
	s4 =	sadd.s32 s7, s4;
	s7 =	sadd.s32 s26, s9  }
0xc: {  	s12 =	ssub.s32 s28, s29;
	s30 =	sshrl.u32 s10, $0x2;
	s8 =	sshrl.u32 s4, $0x3  }
0xd: {  	s4 =	sadd.s32 $0xF600, s6;
	s11 =	sadd.s32 s7, s6;
	s13 =	sadd.s32 s30, s2  }
0xe: {  	s10 =	smax.u32 s12, $0x1;
	s12 =	simm.s32 $0x3;
	s8 =	sadd.s32 s8, s6  }
0xf: {  	s6 =	sor.u32 $0x1C03, s31;
	s9 =	sadd.s32 $0x65000, s11;
	s11 =	sshrl.u32 s13, $0x3  }
0x10: {  	s13 =	simm.s32 $0x1400;
	s7 =	sadd.s32 $0x60000, s8;
	s8 =	sadd.s32 $0x2E00, s8  }
.LBB2_1:
0x11: {  	[spmem:s11], [sflag:s6] =	dma.local [hbm:s5], $0x2800  }
0x12: {  	_ =	swait.ge [sflag:s12], $0x2800  }
0x13: {  	[sflag:s12] =	ssyncset.done $0x0  }
0x14: {  	[sflag:s12] =	ssyncadd.s32 $0xFFFFD800  }
0x15: {  	[bflag:$0x0] =	sbarrier.arrive $0xFFFF  }
0x16: {  	[tilespmem:s3], [sflag:$0x3] =	stream.linear.gather [hbm4b:s7+s3], $0x1400, $0x38;
	[tilespmem:$0x1E800] =	vst v63  }
0x17: {  	_ =	swait.ge [sflag:s12], $0x1400  }
0x18: {  	[sflag:s12] =	ssyncset.done $0x0  }
0x19: {  	[sflag:s12] =	ssyncadd.s32 $0xFFFFEC00  }
0x1a: {  	[tilespmem:s13], [sflag:$0x3] =	stream.linear.gather [hbm4b:s8+s3], $0x1400, $0x38;
	[tilespmem:$0x1E800] =	vst v63  }
0x1b: {  	_ =	swait.ge [sflag:s12], $0x1400  }
0x1c: {  	[sflag:s12] =	ssyncset.done $0x0  }
0x1d: {  	[sflag:s12] =	ssyncadd.s32 $0xFFFFEC00  }
0x1e: {  	[tilespmem:s15], [sflag:$0x1] =	stream.indirect.gather [hbm4b:s4+s14], $0x80, s3, s14, $0xb8;
	[tilespmem:$0x1E800] =	vst v63  }
0x1f: {  	s23 =	simm.s32 $0x80  }
0x20: {  	[tilespmem:s16], [sflag:$0x2] =	stream.indirect.gather [hbm4b:s4+s14], $0x80, s23, s14, $0xb8;
	[tilespmem:$0x1E800] =	vst v63  }
0x21: {  	_ =	swait.ge [sflag:s17], $0x4000  }
0x22: {  	[sflag:s17] =	ssyncset.done $0x0  }
0x23: {  	s29 =	simm.s32 $0x1400;
	[sflag:s17] =	ssyncadd.s32 $0xFFFFC000  }
0x24: {  	[spmem:s2] =	stream.indirect.scatter.add.f32 [tilespmem:s15], [sflag:$0x3], $0x80, s29, s14, $0xb8;
	[tilespmem:$0x1E800] =	vst v63  }
0x25: {  	_ =	swait.ge [sflag:s12], $0x4000  }
0x26: {  	[sflag:s12] =	ssyncset.done $0x0  }
0x27: {  	s30 =	simm.s32 $0x100;
	[sflag:s12] =	ssyncadd.s32 $0xFFFFC000  }
0x28: {  	[tilespmem:s15], [sflag:$0x1] =	stream.indirect.gather [hbm4b:s4+s14], $0x80, s30, s14, $0xb8;
	[tilespmem:$0x1E800] =	vst v63  }
0x29: {  	_ =	swait.ge [sflag:s18], $0x4000  }
0x2a: {  	[sflag:s18] =	ssyncset.done $0x0  }
0x2b: {  	s31 =	simm.s32 $0x1480;
	[sflag:s18] =	ssyncadd.s32 $0xFFFFC000  }
0x2c: {  	[spmem:s2] =	stream.indirect.scatter.add.f32 [tilespmem:s16], [sflag:$0x3], $0x80, s31, s14, $0xb8;
	[tilespmem:$0x1E800] =	vst v63  }
0x2d: {  	_ =	swait.ge [sflag:s12], $0x4000  }
0x2e: {  	s24 =	simm.s32 $0x800;
	s23 =	simm.s32 $0x100;
	[sflag:s12] =	ssyncset.done $0x0  }
.LBB2_2:
0x2f: {  	s25 =	sadd.s32 $0x80, s23  }
0x30: {  	[sflag:s12] =	ssyncadd.s32 $0xFFFFC000;
	s26 =	smov.u32 s24;
	s28 =	sadd.s32 $0x400, s24  }
0x31: {  	[tilespmem:s16], [sflag:$0x2] =	stream.indirect.gather [hbm4b:s4+s14], $0x80, s25, s14, $0xb8;
	[tilespmem:$0x1E800] =	vst v63  }
0x32: {  	p0 =	sne.s32 s24, $0x4800;
	_ =	swait.ge [sflag:s17], $0x4000  }
0x33: {  	[sflag:s17] =	ssyncset.done $0x0  }
0x34: {  	s24 =	sadd.s32 $0x1400, s23;
	[sflag:s17] =	ssyncadd.s32 $0xFFFFC000  }
0x35: {  	[spmem:s2] =	stream.indirect.scatter.add.f32 [tilespmem:s15], [sflag:$0x3], $0x80, s24, s14, $0xb8;
	[tilespmem:$0x1E800] =	vst v63  }
0x36: {  	_ =	swait.ge [sflag:s12], $0x4000  }
0x37: {  	[sflag:s12] =	ssyncset.done $0x0  }
0x38: {  	s24 =	sadd.s32 $0x100, s23;
	[sflag:s12] =	ssyncadd.s32 $0xFFFFC000  }
0x39: {  	[tilespmem:s15], [sflag:$0x1] =	stream.indirect.gather [hbm4b:s4+s14], $0x80, s24, s14, $0xb8;
	[tilespmem:$0x1E800] =	vst v63  }
0x3a: {  	_ =	swait.ge [sflag:s18], $0x4000  }
.Ltmp0:
0x3b: {  	[sflag:s18] =	ssyncset.done $0x0;
	(pc) =	sbr.rel @p0 .LBB2_2-.Ltmp0, $4  }
0x3c: {  	s23 =	sadd.s32 $0x1480, s23;
	[sflag:s18] =	ssyncadd.s32 $0xFFFFC000  }
0x3d: {  	[spmem:s2] =	stream.indirect.scatter.add.f32 [tilespmem:s16], [sflag:$0x3], $0x80, s23, s14, $0xb8;
	[tilespmem:$0x1E800] =	vst v63  }
0x3e: {  	_ =	swait.ge [sflag:s12], $0x4000  }
0x3f: {  	s24 =	smov.u32 s28;
	s23 =	sshra.s32 s26, $0x2;
	[sflag:s12] =	ssyncset.done $0x0  }
0x40: {  	s24 =	sadd.s32 $0x80, s23;
	[sflag:s12] =	ssyncadd.s32 $0xFFFFC000  }
0x41: {  	[tilespmem:s16], [sflag:$0x2] =	stream.indirect.gather [hbm4b:s4+s14], $0x80, s24, s14, $0xb8;
	[tilespmem:$0x1E800] =	vst v63  }
0x42: {  	_ =	swait.ge [sflag:s17], $0x4000  }
0x43: {  	[sflag:s17] =	ssyncset.done $0x0  }
0x44: {  	s29 =	sadd.s32 $0x1400, s23;
	[sflag:s17] =	ssyncadd.s32 $0xFFFFC000  }
0x45: {  	[spmem:s2] =	stream.indirect.scatter.add.f32 [tilespmem:s15], [sflag:$0x3], $0x80, s29, s14, $0xb8;
	[tilespmem:$0x1E800] =	vst v63  }
0x46: {  	_ =	swait.ge [sflag:s12], $0x4000  }
0x47: {  	[sflag:s12] =	ssyncset.done $0x0  }
0x48: {  	s30 =	sadd.s32 $0x100, s23;
	[sflag:s12] =	ssyncadd.s32 $0xFFFFC000  }
0x49: {  	[tilespmem:s15], [sflag:$0x1] =	stream.indirect.gather [hbm4b:s4+s14], $0x80, s30, s14, $0xb8;
	[tilespmem:$0x1E800] =	vst v63  }
0x4a: {  	_ =	swait.ge [sflag:s18], $0x4000  }
0x4b: {  	[sflag:s18] =	ssyncset.done $0x0  }
0x4c: {  	s31 =	sadd.s32 $0x1480, s23;
	[sflag:s18] =	ssyncadd.s32 $0xFFFFC000  }
0x4d: {  	[spmem:s2] =	stream.indirect.scatter.add.f32 [tilespmem:s16], [sflag:$0x3], $0x80, s31, s14, $0xb8;
	[tilespmem:$0x1E800] =	vst v63  }
0x4e: {  	_ =	swait.ge [sflag:s12], $0x4000  }
0x4f: {  	[sflag:s12] =	ssyncset.done $0x0  }
0x50: {  	[sflag:s12] =	ssyncadd.s32 $0xFFFFC000  }
0x51: {  	[tilespmem:s16], [sflag:$0x2] =	stream.indirect.gather [hbm4b:s4+s14], $0x80, s19, s14, $0xb8;
	[tilespmem:$0x1E800] =	vst v63  }
0x52: {  	_ =	swait.ge [sflag:s17], $0x4000  }
0x53: {  	[sflag:s17] =	ssyncset.done $0x0  }
0x54: {  	[sflag:s17] =	ssyncadd.s32 $0xFFFFC000  }
0x55: {  	[spmem:s2] =	stream.indirect.scatter.add.f32 [tilespmem:s15], [sflag:$0x3], $0x80, s20, s14, $0xb8;
	[tilespmem:$0x1E800] =	vst v63  }
0x56: {  	_ =	swait.ge [sflag:s12], $0x4000  }
0x57: {  	[sflag:s12] =	ssyncset.done $0x0  }
0x58: {  	[sflag:s12] =	ssyncadd.s32 $0xFFFFC000  }
0x59: {  	_ =	swait.ge [sflag:s18], $0x4000  }
0x5a: {  	[sflag:s18] =	ssyncset.done $0x0  }
0x5b: {  	[sflag:s18] =	ssyncadd.s32 $0xFFFFC000  }
0x5c: {  	[spmem:s2] =	stream.indirect.scatter.add.f32 [tilespmem:s16], [sflag:$0x3], $0x80, s21, s14, $0xb8;
	[tilespmem:$0x1E800] =	vst v63  }
0x5d: {  	_ =	swait.ge [sflag:s12], $0x4000  }
0x5e: {  	s22 =	sadd.s32 $0x1, s22;
	[sflag:s12] =	ssyncset.done $0x0  }
0x5f: {  	p0 =	sne.s32 s22, s10;
	[sflag:s12] =	ssyncadd.s32 $0xFFFFC000  }
.Ltmp1:
0x60: {  	[bflag:$0x0] =	sbarrier.arrive $0xFFFF;
	(pc) =	sbr.rel @p0 .LBB2_1-.Ltmp1, $4  }
0x61: {  	[hbm:s9], [sflag:s6] =	dma.local [spmem:s11], $0x2800  }
0x62: {  	_ =	swait.ge [sflag:s12], $0x2800  }
0x63: {  	[sflag:s12] =	ssyncset.done $0x0  }
0x64: {  	[sflag:s12] =	ssyncadd.s32 $0xFFFFD800  }
0x65: {  	_ =	sfence.sel $0x180000  }
0x66: {  	[bflag:$0x0] =	sbarrier.arrive $0xFFFF  }
0x67: {  	p0 =	sne.s32 s0, $0x0;
	_ =	strace $0x9000004D  }
0x68: {  	s0 =	sadd.s32 @!p0 $0x100000, s1;
	[bflag:$0x2] =	sbarrier.arrive $0xFFFF  }
0x69: {  	[sflag:s0] =	ssyncadd.tile.s32 @!p0 $0x1;
	_ =	shalt  }
.Lfunc_end2:
_tile_overlayer_lowered:
.L_overlay_start_2:
0x6a: {  	(tag) =	ssettag $0x2  }
0x6b: {  	s0 =	rddreg [dreg:$0x0];
	s2 =	stileid.u32  }
0x6c: {  	s1 =	rddreg [dreg:$0x1];
	p0 =	sne.s32 s2, $0x0  }
0x6d: {  	s3 =	rddreg [dreg:$0x2];
	[bflag:$0x3] =	sbarrier.arrive $0xFFFF;
	s2 =	simm.s32 @!p0 $0x1C03  }
0x6e: {  	[timem:s3], [sflag:s2] =	dma.local @!p0 [hbm:s0], s1  }
0x6f: {  	s0 =	simm.s32 @!p0 $0x3  }
0x70: {  	_ =	swait.ge @!p0 [sflag:s0], s1  }
0x71: {  	s1 =	ssub.s32 @!p0 $0x0, s1;
	[sflag:s0] =	ssyncset.done @!p0 $0x0  }
0x72: {  	[sflag:s0] =	ssyncadd.s32 @!p0 s1  }
0x73: {  	[bflag:$0x3] =	sbarrier.arrive $0xFFFF  }
0x74: {  	_ =	shalt  }

// kernel: kernel.8.cloned.1.call-start
scs
__scs_entry_jumppad:
0x0: {  	(pc) =	sbr.rel $0x88, $3  }
0x1: {  	(tag) =	ssettag $0x0;
	lr =	simm.s32 $0x1  }
0x2: {  	[smem:$0x3F94] =	sst lr;
	_ =	strace $0xD0000000  }
0x3: {  	_ = 	snop  }
0x4: {  	_ = 	snop  }
0x5: {  	_ = 	snop  }
0x6: {  	_ = 	snop  }
0x7: {  	_ = 	snop  }
__scs_overlays_trampoline_lowered:
0x8: {  	[smem:$0x3FA3] =	sst s0  }
0x9: {  	[smem:$0x3FA4] =	sst s1  }
0xa: {  	[smem:$0x3FA5] =	sst s2  }
0xb: {  	[smem:$0x3FA6] =	sst s3  }
0xc: {  	[smem:$0x3FA7] =	sst s4  }
0xd: {  	[smem:$0x3FA8] =	sst s5  }
0xe: {  	[smem:$0x3FA9] =	sst s6  }
0xf: {  	[smem:$0x3FAA] =	sst s7  }
0x10: {  	[smem:$0x3FAB] =	sst s8  }
0x11: {  	[smem:$0x3FAC] =	sst s9;
	s0 =	simm.s32 @!p0 $0x0  }
0x12: {  	s1 =	sld [smem:$0x3F92];
	s0 =	simm.s32 @p0 $0x1  }
0x13: {  	[smem:$0x3FAD] =	sst s0;
	s0 =	simm.s32 @!p1 $0x0  }
0x14: {  	s2 =	sld [smem:$0x3F91];
	s0 =	simm.s32 @p1 $0x1  }
0x15: {  	[smem:$0x3FAE] =	sst s0;
	s0 =	simm.s32 @!p2 $0x0  }
0x16: {  	s3 =	sld [smem:$0x3FDB];
	s0 =	simm.s32 @p2 $0x1  }
0x17: {  	s4 =	simm.s32 $0x1BF5;
	[smem:$0x3FB0] =	sst s0  }
0x18: {  	s0 =	sld [smem:$0x3F93];
	_ =	swait.ge [sflag:s4], $0x0  }
0x19: {  	s7 =	sld [smem:$0x3F94]  }
0x1a: {  	s8 =	sadd.s32 $0xFFFFE003, lr  }
0x1b: {  	s9 =	sadd.s32 $0xFFFFFEF7, lr;
	s5 =	simm.s32 $0xFFFFFFFF;
	p2 =	slt.u32 s8, $0xFFFFF086  }
0x1c: {  	p1 =	slt.u32 s9, $0xF7A;
	s5 =	simm.s32 @!p2 $0x0  }
0x1d: {  	s5 =	simm.s32 @p1 $0x1;
	p0 =	seq.s32 s7, s2  }
0x1e: {  	s7 =	smul.u32 @!p0 $0xF7A, s2;
	p2 =	seq.s32 @!p0 s5, $0x0  }
0x1f: {  	s9 =	smul.u32 $0xF7A, s1;
	s8 =	simm.s32 @!p0 $0x1BF5;
	p2 =	por !p2, p0  }
0x20: {  	[sflag:s8] =	ssyncset.s32 @!p0 $0xFFFFF086;
	s6 =	sadd.s32 @!p0 s3, s7;
	s7 =	simm.s32 @!p0 $0x108  }
0x21: {  	s3 =	sadd.s32 s3, s9;
	s6 =	sadd.s32 @!p0 $0x88, s6;
	s7 =	simm.s32 @p2 $0x1082  }
0x22: {  	[simem:s7], [sflag:s8] =	dma.local @!p0 [hbm:s6], $0xF7A  }
0x23: {  	s9 =	sor.u32 $0xD0000000, s2;
	s6 =	simm.s32 $0x108;
	_ =	swait.ge @!p0 [sflag:s8], $0x0  }
0x24: {  	s3 =	sadd.s32 $0x88, s3;
	s6 =	simm.s32 @!p1 $0x1082;
	[sflag:s4] =	ssyncset.s32 $0xFFFFF086  }
0x25: {  	[simem:s6], [sflag:s4] =	dma.local [hbm:s3], $0xF7A  }
0x26: {  	[smem:$0x3F94] =	sst s1;
	(tag) =	ssettag s2;
	_ =	strace s9  }
0x27: {  	s1 =	sld [smem:$0x3FA4]  }
0x28: {  	s2 =	sld [smem:$0x3FA5]  }
0x29: {  	s4 =	sld [smem:$0x3FA7]  }
0x2a: {  	p0 =	seq.s32 s5, $0x0;
	s5 =	sld [smem:$0x3FA8]  }
0x2b: {  	s6 =	sld [smem:$0x3FA9]  }
0x2c: {  	s7 =	sld [smem:$0x3FAA]  }
0x2d: {  	s3 =	simm.s32 $0x108;
	s8 =	sld [smem:$0x3FAB]  }
0x2e: {  	s3 =	simm.s32 @!p0 $0x1082;
	s9 =	sld [smem:$0x3FAC]  }
0x2f: {  	lr =	sadd.s32 s0, s3;
	s0 =	sld [smem:$0x3FA3]  }
0x30: {  	s3 =	sld [smem:$0x3FA6]  }
0x31: {  	[smem:$0x3FAF] =	sst s10  }
0x32: {  	s10 =	sld [smem:$0x3FAD];
	_ =	sdelay $0x3  }
0x33: {  	p0 =	seq.s32 s10, $0x1;
	s10 =	sld [smem:$0x3FAF];
	_ =	sdelay $0x3  }
0x34: {  	[smem:$0x3FAF] =	sst s10  }
0x35: {  	s10 =	sld [smem:$0x3FAE];
	_ =	sdelay $0x3  }
0x36: {  	p1 =	seq.s32 s10, $0x1;
	s10 =	sld [smem:$0x3FAF];
	_ =	sdelay $0x3  }
0x37: {  	[smem:$0x3FAF] =	sst s10  }
0x38: {  	s10 =	sld [smem:$0x3FB0]  }
0x39: {  	_ = 	snop;
	(pc) =	sbr.ind lr, $3  }
0x3a: {  	_ = 	snop  }
0x3b: {  	_ = 	snop  }
0x3c: {  	p2 =	seq.s32 s10, $0x1;
	s10 =	sld [smem:$0x3FAF]  }
0x3d: {  	_ =	shalt  }
0x3e: {  	_ =	shalt  }
0x3f: {  	_ =	shalt  }
0x40: {  	_ =	shalt  }
0x41: {  	_ =	shalt  }
0x42: {  	_ =	shalt  }
0x43: {  	_ =	shalt  }
0x44: {  	_ =	shalt  }
0x45: {  	_ =	shalt  }
0x46: {  	_ =	shalt  }
0x47: {  	_ =	shalt  }
0x48: {  	_ =	shalt  }
0x49: {  	_ =	shalt  }
0x4a: {  	_ =	shalt  }
0x4b: {  	_ =	shalt  }
0x4c: {  	_ =	shalt  }
0x4d: {  	_ =	shalt  }
0x4e: {  	_ =	shalt  }
0x4f: {  	_ =	shalt  }
0x50: {  	_ =	shalt  }
0x51: {  	_ =	shalt  }
0x52: {  	_ =	shalt  }
0x53: {  	_ =	shalt  }
0x54: {  	_ =	shalt  }
0x55: {  	_ =	shalt  }
0x56: {  	_ =	shalt  }
0x57: {  	_ =	shalt  }
0x58: {  	_ =	shalt  }
0x59: {  	_ =	shalt  }
0x5a: {  	_ =	shalt  }
0x5b: {  	_ =	shalt  }
0x5c: {  	_ =	shalt  }
0x5d: {  	_ =	shalt  }
0x5e: {  	_ =	shalt  }
0x5f: {  	_ =	shalt  }
0x60: {  	_ =	shalt  }
0x61: {  	_ =	shalt  }
0x62: {  	_ =	shalt  }
0x63: {  	_ =	shalt  }
0x64: {  	_ =	shalt  }
0x65: {  	_ =	shalt  }
0x66: {  	_ =	shalt  }
0x67: {  	_ =	shalt  }
0x68: {  	_ =	shalt  }
0x69: {  	_ =	shalt  }
0x6a: {  	_ =	shalt  }
0x6b: {  	_ =	shalt  }
0x6c: {  	_ =	shalt  }
0x6d: {  	_ =	shalt  }
0x6e: {  	_ =	shalt  }
0x6f: {  	_ =	shalt  }
0x70: {  	_ =	shalt  }
0x71: {  	_ =	shalt  }
0x72: {  	_ =	shalt  }
0x73: {  	_ =	shalt  }
0x74: {  	_ =	shalt  }
0x75: {  	_ =	shalt  }
0x76: {  	_ =	shalt  }
0x77: {  	_ =	shalt  }
0x78: {  	_ =	shalt  }
0x79: {  	_ =	shalt  }
0x7a: {  	_ =	shalt  }
0x7b: {  	_ =	shalt  }
0x7c: {  	_ =	shalt  }
0x7d: {  	_ =	shalt  }
0x7e: {  	_ =	shalt  }
0x7f: {  	_ =	shalt  }
0x80: {  	_ =	shalt  }
0x81: {  	_ =	shalt  }
0x82: {  	_ =	shalt  }
0x83: {  	_ =	shalt  }
0x84: {  	_ =	shalt  }
0x85: {  	_ =	shalt  }
0x86: {  	_ =	shalt  }
0x87: {  	_ =	shalt  }
.Lfunc_end0:
.L_simem_size_0:
called_computation_lowered:
.L_overlay_start_0:
0x88: {  	s2 =	sld [smem:$0x3FD9]  }
0x89: {  	s3 =	sld [smem:$0x3FFE];
	_ =	sdelay $0x1  }
0x8a: {  	s1 =	srdreg.scid  }
0x8b: {  	s0 =	sand.u32 $0x1, s1  }
0x8c: {  	s16 =	sshll.u32 s0, $0xA;
	s2 =	sadd.s32 s3, s2  }
0x8d: {  	s2 =	sadd.s32 s2, s16  }
0x8e: {  	[smem:$0x3FBB] =	sst s2  }
0x8f: {  	_ = 	snop  }
0x90: {  	(tm) =	ssettm $0x1  }
0x91: {  	s17 =	sld [smem:$0x3FFB];
	_ =	sdelay $0x3  }
0x92: {  	_ =	strace s17  }
0x93: {  	s2 =	sld [smem:$0x3FFC];
	_ =	sdelay $0x3  }
0x94: {  	_ =	strace s2  }
0x95: {  	s2 =	sld [smem:$0x3FFD];
	_ =	sdelay $0x3  }
0x96: {  	_ =	strace s2  }
0x97: {  	_ =	strace $0x8FFFFFFF  }
0x98: {  	s18 =	sld [smem:$0x3FDB];
	_ =	sdelay $0x1  }
0x99: {  	s19 =	simm.s32 $_scs_section_size  }
0x9a: {  	s4 =	simm.s32 $_size__tile_overlayer_lowered;
	s5 =	simm.s32 $_tile_overlayer_lowered  }
0x9b: {  	s22 =	simm.s32 $0x1BFF;
	s21 =	sshll.u32 s5, $0x1;
	s2 =	sadd.s32 s19, s18  }
0x9c: {  	s6 =	simm.s32 $0x0;
	s20 =	sshll.u32 s4, $0x1;
	s4 =	sadd.s32 s21, s2  }
0x9d: {  	[timem:s6], [sflag:s22] =	dma.local [hbm:s4], s20  }
0x9e: {  	_ =	swait.ge [sflag:s22], s20  }
0x9f: {  	s3 =	ssub.s32 $0x0, s20;
	[sflag:s22] =	ssyncset.done $0x0  }
0xa0: {  	[sflag:s22] =	ssyncadd.s32 s3;
	_ =	sdelay $0x1  }
0xa1: {  	s23 =	simm.s32 $0x1B8B  }
0xa2: {  	_ =	swait.ge [sflag:s23], $0x1  }
0xa3: {  	[sflag:s23] =	ssyncset.done $0x0  }
0xa4: {  	s25 =	simm.s32 $0x1B8E;
	s24 =	sld [smem:$0x3FFE];
	[sflag:s23] =	ssyncadd.s32 $0xFFFFFFFF  }
0xa5: {  	s26 =	simm.s32 $execute0_lowered;
	[smem:$0x3FD2] =	sst s25  }
0xa6: {  	s4 =	sshll.u32 s26, $0x1;
	_ =	strace $0x80000046;
	[dreg:$0x1] =	wrdreg $0xFFFFFFFF  }
0xa7: {  	s28 =	simm.s32 $_size_execute0_lowered;
	s2 =	sadd.s32 s2, s4;
	[dreg:$0x0] =	wrdreg $0x0  }
0xa8: {  	s4 =	sshll.u32 s28, $0x1;
	[dreg:$0x2] =	wrdreg s2  }
0xa9: {  	[dreg:$0x3] =	wrdreg s4  }
0xaa: {  	[dreg:$0x4] =	wrdreg $0xC0  }
0xab: {  	_ =	task [dreg:s6], $0x5FFFF  }
0xac: {  	[dreg:$0x1] =	wrdreg $0xFFFFFFFF  }
0xad: {  	[dreg:$0x0] =	wrdreg $0x60  }
0xae: {  	[dreg:$0x2] =	wrdreg s24  }
0xaf: {  	[dreg:$0x3] =	wrdreg $0x3C800  }
0xb0: {  	[dreg:$0x4] =	wrdreg $0x9  }
0xb1: {  	_ =	task.clear_ibuf [dreg:s6], $0x5FFFF;
	_ =	strace $0x90000046  }
0xb2: {  	s29 =	simm.s32 $0x9;
	_ =	strace $0x80000048  }
0xb3: {  	_ =	swait.ge [sflag:s29], $0x1  }
0xb4: {  	[sflag:s29] =	ssyncadd.s32 $0xFFFFFFFF  }
0xb5: {  	_ =	strace $0x90000048  }
0xb6: {  	_ =	sfence  }
0xb7: {  	s30 =	sld [smem:$0x0];
	_ =	sdelay $0x2  }
0xb8: {  	s31 =	sshll.u32 s1, $0xD;
	s1 =	sshrl.u32 s1, $0x2  }
0xb9: {  	s3 =	sand.u32 $0x4000, s31;
	s1 =	sadd.s32 s1, s30  }
0xba: {  	s0 =	sor.u32 s3, s0;
	s1 =	sshll.u32 s1, $0x11  }
0xbb: {  	s0 =	sor.u32 s1, s0  }
0xbc: {  	s0 =	sadd.s32 $0x8F2B, s0  }
0xbd: {  	[sflag:s0] =	ssyncadd.remote.s32 $0x1  }
0xbe: {  	_ =	sfence.sel $0xFFFF  }
0xbf: {  	[dreg:$0x0] =	wrdreg $0xFFFFFFFF;
	(pc) =	sbr.abs _section_cstart, $3  }
0xc0: {  	[dreg:$0x1] =	wrdreg $0xFFFFFFFF  }
0xc1: {  	_ =	task.clear_ibuf [dreg:s6], $0x2FFFF;
	_ =	strace $0x9FFFFFFF  }
0xc2: {  	(tm) =	ssettm $0x7FFFFFFF  }
0xc3: {  	_ =	shalt  }
tec
execute0_lowered:
.L_overlay_start_1:
0x0: {  	(tag) =	ssettag $0x1  }
0x1: {  	s0 =	srdreg.scid  }
0x2: {  	s7 =	stileid.u32;
	s4 =	rddreg [dreg:$0x0]  }
0x3: {  	s1 =	rddreg [dreg:$0x1];
	s2 =	simm.s32 $0x0;
	s10 =	simm.s32 $0x1400  }
0x4: {  	s12 =	simm.s32 $0x50;
	s13 =	simm.s32 $0x3C00;
	s3 =	sand.u32 $0x1, s0  }
0x5: {  	s14 =	simm.s32 $0x0;
	s28 =	sshrl.u32 s7, $0x3;
	s5 =	smul.u32 $0x14000, s3  }
0x6: {  	s0 =	rddreg [dreg:$0x2];
	s8 =	sshll.u32 s7, $0x7;
	s6 =	smul.u32 $0xA000, s28  }
0x7: {  	[smem:$0x7FF] =	sst s2;
	p0 =	sne.s32 s7, $0x0;
	s7 =	simm.s32 $0x80  }
0x8: {  	s29 =	sand.u32 $0x380, s8;
	s30 =	smul.u32 $0x500, s3;
	s5 =	sadd.s32 s5, s6  }
0x9: {  	s31 =	ssub.s32 $0x2, s3;
	_ =	strace $0x80000047;
	s5 =	sor.u32 s29, s5  }
0xa: {  	s3 =	sadd.s32 $0xCE00, s4;
	s11 =	sshrl.u32 @!p0 s1, $0x3;
	s5 =	sshrl.u32 s5, $0x3  }
0xb: {  	v0 =	vlaneseq.u32;
	s9 =	sshrl.u32 s31, $0x1;
	s6 =	sadd.s32 s30, s4;
	s5 =	sadd.s32 s5, s4  }
0xc: {  	v5 =	vimm.f32 $1.000000000e+00;
	v1 =	vor.u32 $0x10, v0;
	s8 =	ssub.s32 s31, s9;
	s9 =	simm.s32 $0x1;
	s4 =	sadd.s32 $0x7E00, s5  }
0xd: {  	v2 =	vor.u32 $0x20, v0;
	v3 =	vor.u32 $0x30, v0;
	v4 =	vor.u32 $0x40, v0;
	s5 =	sadd.s32 $0xF600, s6;
	s6 =	smax.u32 s8, $0x1;
	s8 =	simm.s32 $0x400  }
.LBB2_1:
0xe: {  	[tilespmem:s2], [sflag:$0x1] =	stream.strided.gather [hbm4b:s4+s7], $0x1400, s8, s7, $0x38;
	[tilespmem:$0x3F00] =	vst v63  }
0xf: {  	_ =	swait.ge [sflag:s9], $0x1400  }
0x10: {  	[sflag:s9] =	ssyncset.done $0x0  }
0x11: {  	[sflag:s9] =	ssyncadd.s32 $0xFFFFEC00  }
0x12: {  	[tilespmem:s10], [sflag:$0x1] =	stream.linear.gather [hbm4b:s3+s2], $0x2800, $0x38;
	[tilespmem:$0x3F00] =	vst v63  }
0x13: {  	_ =	swait.ge [sflag:s9], $0x2800  }
0x14: {  	[sflag:s9] =	ssyncset.done $0x0  }
0x15: {  	s15 =	simm.s32 @!p0 $0x1C01;
	[sflag:s9] =	ssyncadd.s32 $0xFFFFD800  }
0x16: {  	[spmem:s11], [sflag:s15] =	dma.local @!p0 [hbm:s3], $0x500  }
0x17: {  	s15 =	simm.s32 @!p0 $0x1  }
0x18: {  	_ =	swait.ge @!p0 [sflag:s15], $0x500  }
0x19: {  	[sflag:s15] =	ssyncset.done @!p0 $0x0  }
0x1a: {  	[sflag:s15] =	ssyncadd.s32 @!p0 $0xFFFFFB00  }
0x1b: {  	[tilespmem:$0x3C00] =	vst v0  }
0x1c: {  	[tilespmem:$0x3C10] =	vst v1  }
0x1d: {  	[tilespmem:$0x3C20] =	vst v2  }
0x1e: {  	[tilespmem:$0x3C30] =	vst v3  }
0x1f: {  	s16 =	simm.s32 $0x0;
	s15 =	simm.s32 $0x40;
	[tilespmem:$0x3C40] =	vst v4  }
.LBB2_2:
0x20: {  	p1 =	sne.s32 s15, $0x4FC0;
	v6 =	vld [tilespmem:s16+$0x0];
	_ =	sdelay $0x3  }
.Ltmp0:
0x21: {  	(pc) =	sbr.rel @p1 .LBB2_2-.Ltmp0, $2  }
0x22: {  	_ =	sdelay $0x2  }
0x23: {  	s16 =	sshra.s32 s15, $0x2;
	s15 =	sadd.s32 $0x40, s15;
	[tilespmem:v6+s10+$0x0] =	vst.idx.add.f32.msk $0xffff, v5  }
0x24: {  	v6 =	vld [tilespmem:s16+$0x0];
	_ =	sdelay $0x7  }
0x25: {  	[tilespmem:v6+s10+$0x0] =	vst.idx.add.f32.msk $0xffff, v5  }
0x26: {  	[bflag:$0x0] =	sbarrier.arrive $0xFFFF  }
0x27: {  	[spmem:s1] =	stream.indirect.scatter.add.f32 [tilespmem:s10], [sflag:$0x1], $0x80, s13, s12, $0xb8;
	[tilespmem:$0x3F00] =	vst v63  }
0x28: {  	_ =	swait.ge [sflag:s9], $0x2800  }
0x29: {  	[sflag:s9] =	ssyncset.done $0x0  }
0x2a: {  	s14 =	sadd.s32 $0x1, s14;
	[sflag:s9] =	ssyncadd.s32 $0xFFFFD800  }
0x2b: {  	s15 =	simm.s32 @!p0 $0x1C01;
	p1 =	sne.s32 s14, s6;
	[bflag:$0x0] =	sbarrier.arrive $0xFFFF  }
0x2c: {  	[hbm:s5], [sflag:s15] =	dma.local @!p0 [spmem:s11], $0x500  }
.Ltmp1:
0x2d: {  	_ = 	snop;
	(pc) =	sbr.rel @p1 .LBB2_1-.Ltmp1, $4  }
0x2e: {  	s15 =	simm.s32 @!p0 $0x1  }
0x2f: {  	_ =	swait.ge @!p0 [sflag:s15], $0x500  }
0x30: {  	[sflag:s15] =	ssyncset.done @!p0 $0x0  }
0x31: {  	[sflag:s15] =	ssyncadd.s32 @!p0 $0xFFFFFB00  }
0x32: {  	_ =	sfence.sel $0x180000  }
0x33: {  	[bflag:$0x0] =	sbarrier.arrive $0xFFFF  }
0x34: {  	_ =	strace $0x90000047  }
0x35: {  	s0 =	sadd.s32 @!p0 $0x100000, s0;
	[bflag:$0x2] =	sbarrier.arrive $0xFFFF  }
0x36: {  	[sflag:s0] =	ssyncadd.tile.s32 @!p0 $0x1;
	_ =	shalt  }
.Lfunc_end2:
_tile_overlayer_lowered:
.L_overlay_start_2:
0x37: {  	(tag) =	ssettag $0x2  }
0x38: {  	s0 =	rddreg [dreg:$0x0];
	s2 =	stileid.u32  }
0x39: {  	s1 =	rddreg [dreg:$0x1];
	p0 =	sne.s32 s2, $0x0  }
0x3a: {  	s3 =	rddreg [dreg:$0x2];
	[bflag:$0x3] =	sbarrier.arrive $0xFFFF;
	s2 =	simm.s32 @!p0 $0x1C01  }
0x3b: {  	[timem:s3], [sflag:s2] =	dma.local @!p0 [hbm:s0], s1  }
0x3c: {  	s0 =	simm.s32 @!p0 $0x1  }
0x3d: {  	_ =	swait.ge @!p0 [sflag:s0], s1  }
0x3e: {  	s1 =	ssub.s32 @!p0 $0x0, s1;
	[sflag:s0] =	ssyncset.done @!p0 $0x0  }
0x3f: {  	[sflag:s0] =	ssyncadd.s32 @!p0 s1  }
0x40: {  	[bflag:$0x3] =	sbarrier.arrive $0xFFFF  }
0x41: {  	_ =	shalt  }

</sc_bundles>
